<compile_context>
chip_gen: v7x
topology: tpu7x:2x2x1
jax: 0.10.2.dev20260603
libtpu: 0.0.44.dev20260713+nightly
codegen_flags: <defaults>
</compile_context>

<pallas_src>
import functools

import numpy as np
import jax
import jax.numpy as jnp
from jax import lax
from jax.experimental import pallas as pl
from jax.experimental.pallas import tpu as pltpu
from jax.experimental.pallas import tpu_sc as plsc

FDIMS = [20, 38, 119, 4, 12, 12, 10, 6, 6, 2, 2, 4]
NC = len(FDIMS)
OFFS = np.concatenate([[0], np.cumsum(FDIMS)]).astype(np.int32)
VOCAB = int(OFFS[-1])
VPAD = 256
EMB = 128
SIGMA = 32
PEP = 16
BLK = 8192

GROUPS = [(2, 1), (0, 4, 5, 3), (6, 7, 8, 9, 10, 11)]
NG = len(GROUPS)
GSIZES = [int(np.prod([FDIMS[f] for f in g])) for g in GROUPS]
GBASES = np.concatenate([[0], np.cumsum(GSIZES)]).astype(np.int32)
RJT = int(GBASES[-1])
RJT_PAD = (RJT + 7) // 8 * 8

NWORK = 32
CHUNK = 160
NCHUNK_TOTAL = 625
TRIPS = 20


def _expansion_matrix():
    k = np.zeros((RJT_PAD, VPAD), np.float32)
    for g, feats in enumerate(GROUPS):
        dims = [FDIMS[f] for f in feats]
        base = int(GBASES[g])
        for r in range(GSIZES[g]):
            rr, idxs = r, []
            for d in reversed(dims):
                idxs.append(rr % d)
                rr //= d
            idxs.reverse()
            for f, i in zip(feats, idxs):
                k[base + r, int(OFFS[f]) + i] = 1.0
    return jnp.asarray(k, dtype=jnp.bfloat16)


def _prep_body(t_ref, wlin_ref, wfin_ref, blin_ref, bfin_ref, k_ref,
               jt_ref, w48_ref, bp_ref):
    wf1 = wfin_ref[0:EMB, :]
    tp = jnp.dot(t_ref[...], wf1, preferred_element_type=jnp.float32)
    jt_ref[...] = jnp.dot(k_ref[...], tp.astype(jnp.bfloat16),
                          preferred_element_type=jnp.float32)
    w48_ref[0:SIGMA, :] = jnp.dot(wlin_ref[...], wf1,
                                  preferred_element_type=jnp.float32
                                  ).astype(jnp.bfloat16)
    w48_ref[SIGMA:SIGMA + PEP, :] = wfin_ref[EMB:EMB + PEP, :].astype(
        jnp.bfloat16)
    bp_ref[...] = (jnp.dot(blin_ref[...], wf1,
                           preferred_element_type=jnp.float32)
                   + bfin_ref[...])


def _jidx_coef():
    mct = np.zeros((8, 16), np.float32)
    for g, feats in enumerate(GROUPS):
        dims = [FDIMS[f] for f in feats]
        coef = 1
        for j in range(len(feats) - 1, -1, -1):
            mct[g, feats[j]] = float(coef)
            coef *= dims[j]
    bases = np.zeros((8, 128), np.float32)
    for g in range(len(GROUPS)):
        bases[g, :] = float(GBASES[g])
    return (jnp.asarray(mct, dtype=jnp.bfloat16), jnp.asarray(bases))


def _jidx_body(x_ref, mct_ref, bases_ref, out_ref):
    xb = x_ref[:, 0:16].astype(jnp.bfloat16)
    jt = lax.dot_general(mct_ref[...], xb, (((1,), (1,)), ((), ())),
                         preferred_element_type=jnp.float32)
    out_ref[...] = jnp.clip((jt + bases_ref[:, 0:1]).astype(jnp.int32),
                            0, RJT - 1)


def _final_body(x_ref, g_ref, w48_ref, bp_ref, out_ref):
    xb = x_ref[...].astype(jnp.bfloat16)
    acc = jnp.dot(xb[:, NC:NC + SIGMA + PEP], w48_ref[...],
                  preferred_element_type=jnp.float32)
    out_ref[...] = acc + g_ref[...] + bp_ref[0:1, :]


def _sc_body(row0, ntotal, jidxf_hbm, jt_hbm, g_hbm,
             j0a, j0b, j0c, j1a, j1b, j1c,
             r0a, r0b, r0c, r1a, r1b, r1c,
             semi0, semi1, semg0, semg1):
    wid = lax.axis_index("s") * 2 + lax.axis_index("c")
    nrow = ntotal
    jbufs = [[j0a, j0b, j0c], [j1a, j1b, j1c]]
    rbufs = [[r0a, r0b, r0c], [r1a, r1b, r1c]]
    semi = [semi0, semi1]
    semg = [semg0, semg1]

    def chunk_of(t):
        return wid + t * NWORK

    def fire_idx(slot, t):
        c = chunk_of(t)

        @pl.when(c < NCHUNK_TOTAL)
        def _():
            base = row0 + c * CHUNK
            for g in range(NG):
                pltpu.async_copy(
                    jidxf_hbm.at[pl.ds(g * nrow + base, CHUNK)],
                    jbufs[slot][g], semi[slot])

    def fire_gather(slot, t):
        c = chunk_of(t)

        @pl.when(c < NCHUNK_TOTAL)
        def _():
            for g in range(NG):
                pltpu.make_async_copy(
                    jidxf_hbm.at[pl.ds(0, CHUNK)],
                    jbufs[slot][g], semi[slot]).wait()
            for g in range(NG):
                pltpu.async_copy(jt_hbm.at[jbufs[slot][g]],
                                 rbufs[slot][g], semg[slot])

    def drain(slot, t):
        c = chunk_of(t)

        @pl.when(c < NCHUNK_TOTAL)
        def _():
            base = c * CHUNK
            ra, rb, rc = rbufs[slot]
            for g in range(NG):
                pltpu.make_async_copy(jt_hbm.at[pl.ds(0, CHUNK), :],
                                      rbufs[slot][g], semg[slot]).wait()

            def acc_row(i, cy):
                for v in range(EMB // 16):
                    vs = pl.ds(v * 16, 16)
                    ra[i, vs] = ra[i, vs] + (rb[i, vs] + rc[i, vs])
                return cy

            lax.fori_loop(0, CHUNK, acc_row, 0)
            pltpu.sync_copy(ra, g_hbm.at[pl.ds(base, CHUNK), :])

    fire_idx(0, 0)
    fire_idx(1, 1)
    fire_gather(0, 0)

    def pair_body(tp, carry):
        t0 = 2 * tp
        t1 = t0 + 1
        fire_gather(1, t1)
        drain(0, t0)
        fire_idx(0, t0 + 2)
        fire_gather(0, t0 + 2)
        drain(1, t1)
        fire_idx(1, t1 + 2)
        return carry

    lax.fori_loop(0, TRIPS // 2, pair_body, 0)


@functools.partial(jax.jit, static_argnums=())
def kernel(x, emb_0, emb_1, emb_2, emb_3, emb_4, emb_5, emb_6, emb_7, emb_8,
           emb_9, emb_10, emb_11, W_lin, b_lin, W_fin, b_fin):
    n = x.shape[0]
    tables = [emb_0, emb_1, emb_2, emb_3, emb_4, emb_5, emb_6, emb_7, emb_8,
              emb_9, emb_10, emb_11]
    t = jnp.concatenate(tables, axis=0)
    t = jnp.pad(t, ((0, VPAD - VOCAB), (0, 0)))
    blin8 = jnp.broadcast_to(b_lin[None, :], (8, EMB))
    bfin8 = jnp.broadcast_to(b_fin[None, :], (8, EMB))

    jt, w48, bp = pl.pallas_call(
        _prep_body,
        out_shape=(
            jax.ShapeDtypeStruct((RJT_PAD, EMB), jnp.float32),
            jax.ShapeDtypeStruct((SIGMA + PEP, EMB), jnp.bfloat16),
            jax.ShapeDtypeStruct((8, EMB), jnp.float32),
        ),
    )(t, W_lin, W_fin, blin8, bfin8, _expansion_matrix())

    mct, bases = _jidx_coef()
    jidx = pl.pallas_call(
        _jidx_body,
        grid=(pl.cdiv(n, BLK),),
        in_specs=[
            pl.BlockSpec((BLK, x.shape[1]), lambda i: (i, 0)),
            pl.BlockSpec((8, 16), lambda i: (0, 0)),
            pl.BlockSpec((8, EMB), lambda i: (0, 0)),
        ],
        out_specs=pl.BlockSpec((8, BLK), lambda i: (0, i)),
        out_shape=jax.ShapeDtypeStruct((8, n), jnp.int32),
        compiler_params=pltpu.CompilerParams(
            dimension_semantics=("parallel",)),
    )(x, mct, bases)

    mesh = plsc.VectorSubcoreMesh(core_axis_name="c", subcore_axis_name="s")
    jidxf = jidx.reshape(-1)
    sc_scratch = (
        [pltpu.VMEM((CHUNK,), jnp.int32)] * (2 * NG)
        + [pltpu.VMEM((CHUNK, EMB), jnp.float32)] * (2 * NG)
        + [pltpu.SemaphoreType.DMA] * 4
    )
    g = pl.kernel(
        functools.partial(_sc_body, 0, n),
        out_type=jax.ShapeDtypeStruct((n, EMB), jnp.float32),
        mesh=mesh,
        scratch_types=sc_scratch,
    )(jidxf, jt)

    out = pl.pallas_call(
        _final_body,
        grid=(pl.cdiv(n, BLK),),
        in_specs=[
            pl.BlockSpec((BLK, x.shape[1]), lambda i: (i, 0)),
            pl.BlockSpec((BLK, EMB), lambda i: (i, 0)),
            pl.BlockSpec((SIGMA + PEP, EMB), lambda i: (0, 0)),
            pl.BlockSpec((8, EMB), lambda i: (0, 0)),
        ],
        out_specs=pl.BlockSpec((BLK, EMB), lambda i: (i, 0)),
        out_shape=jax.ShapeDtypeStruct((n, EMB), jnp.float32),
        compiler_params=pltpu.CompilerParams(
            dimension_semantics=("parallel",)),
    )(x, g, w48, bp)
    return out

# --- scband reference (transcript-rebuilt; emitter-appended) ---
"""Pipeline reference for scband-atom-encoder-72645076844775 (READ-ONLY COPY).

The authoritative reference and input builder live on the scoring server;
editing this copy changes nothing except your own understanding.
"""

import jax, jax.numpy as jnp
import numpy as np

FEATURE_DIMS = [20, 38, 119, 4, 12, 12, 10, 6, 6, 2, 2, 4]
EMB_DIM = 128
SIGMA = 32
PEP = 16
N = 100000

def _xavier(key, shape):
    a = float(np.sqrt(6.0 / (shape[0] + shape[1])))
    return jax.random.uniform(key, shape, minval=-a, maxval=a, dtype=jnp.float32)

def setup_inputs(seed: int = 0):
    key = jax.random.key(seed)
    keys = jax.random.split(key, 40)
    cols = []
    for i, d in enumerate(FEATURE_DIMS):
        cols.append(jax.random.randint(keys[i], (N, 1), 0, d).astype(jnp.float32))
    scal = jax.random.normal(keys[20], (N, SIGMA + PEP), dtype=jnp.float32)
    x = jnp.concatenate(cols + [scal], axis=1)
    inp = {"x": x}
    for i, d in enumerate(FEATURE_DIMS):
        inp["emb_%d" % i] = _xavier(keys[21 + i], (d, EMB_DIM))
    inp["W_lin"] = _xavier(keys[35], (SIGMA, EMB_DIM))
    inp["b_lin"] = jnp.zeros((EMB_DIM,), jnp.float32)
    inp["W_fin"] = _xavier(keys[36], (EMB_DIM + PEP, EMB_DIM))
    inp["b_fin"] = jnp.zeros((EMB_DIM,), jnp.float32)
    return inp

def reference(x, emb_0, emb_1, emb_2, emb_3, emb_4, emb_5, emb_6, emb_7, emb_8, emb_9, emb_10, emb_11, W_lin, b_lin, W_fin, b_fin):
    nc = len(FEATURE_DIMS)
    tables = [emb_0, emb_1, emb_2, emb_3, emb_4, emb_5, emb_6, emb_7, emb_8, emb_9, emb_10, emb_11]
    idx = x[:, :nc].astype(jnp.int32)
    x_embedding = jnp.zeros((x.shape[0], EMB_DIM), dtype=jnp.float32)
    for i, t in enumerate(tables):
        x_embedding = x_embedding + jnp.take(t, idx[:, i], axis=0)
    x_embedding = x_embedding + x[:, nc:nc + SIGMA] @ W_lin + b_lin
    out = jnp.concatenate([x_embedding, x[:, -PEP:]], axis=1) @ W_fin + b_fin
    return out

if __name__ == "__main__":
    import jax
    _d = setup_inputs()
    print(jax.jit(kernel)(*tuple(_d.values())))

</pallas_src>

<mosaic_0001>
#map = affine_map<(d0, d1) -> (0)>
#map1 = affine_map<(d0, d1) -> (0, 0)>
module attributes {stable_mosaic.version = 14 : i64} {
  func.func @_sc_body(%arg0: i32, %arg1: i32, %arg2: memref<800000xi32, #tpu.memory_space<hbm>>, %arg3: memref<21808x128xf32, #tpu.memory_space<hbm>>, %arg4: memref<100000x128xf32, #tpu.memory_space<hbm>>, %arg5: memref<160xi32, #tpu.memory_space<vmem>>, %arg6: memref<160xi32, #tpu.memory_space<vmem>>, %arg7: memref<160xi32, #tpu.memory_space<vmem>>, %arg8: memref<160xi32, #tpu.memory_space<vmem>>, %arg9: memref<160xi32, #tpu.memory_space<vmem>>, %arg10: memref<160xi32, #tpu.memory_space<vmem>>, %arg11: memref<160x128xf32, #tpu.memory_space<vmem>>, %arg12: memref<160x128xf32, #tpu.memory_space<vmem>>, %arg13: memref<160x128xf32, #tpu.memory_space<vmem>>, %arg14: memref<160x128xf32, #tpu.memory_space<vmem>>, %arg15: memref<160x128xf32, #tpu.memory_space<vmem>>, %arg16: memref<160x128xf32, #tpu.memory_space<vmem>>, %arg17: memref<!tpu.dma_semaphore, #tpu.memory_space<semaphore_mem>>, %arg18: memref<!tpu.dma_semaphore, #tpu.memory_space<semaphore_mem>>, %arg19: memref<!tpu.dma_semaphore, #tpu.memory_space<semaphore_mem>>, %arg20: memref<!tpu.dma_semaphore, #tpu.memory_space<semaphore_mem>>) attributes {dimension_semantics = [#tpu.dimension_semantics<core_parallel>, #tpu.dimension_semantics<subcore_parallel>], iteration_bounds = array<i64: 2, 16>, scalar_prefetch = 0 : i64, scratch_operands = 16 : i64, tpu.core_type = #tpu.core_type<sc_vector_subcore>, window_params = [{transform_indices = #map}, {transform_indices = #map1}, {transform_indices = #map1}]} {
    %mul3A = arith.constant 2 : i32
    %mul3A_0 = arith.muli %arg1, %mul3A : i32
    %add3A = arith.addi %mul3A_0, %arg0 : i32
    %add3A_1 = arith.constant 0 : i32
    %add3A_2 = arith.addi %add3A, %add3A_1 : i32
    %lt3A = arith.constant 625 : i32
    %lt3A_3 = arith.cmpi slt, %add3A_2, %lt3A : i32
    %convert_element_type3A = arith.extui %lt3A_3 : i1 to i32
    %cond3A = arith.constant 0 : i32
    %cond3A_4 = arith.cmpi ne, %convert_element_type3A, %cond3A : i32
    scf.if %cond3A_4 {
      %mul3A_24 = arith.constant 160 : i32
      %mul3A_25 = arith.muli %add3A_2, %mul3A_24 : i32
      %add3A_26 = arith.constant 0 : i32
      %add3A_27 = arith.addi %add3A_26, %mul3A_25 : i32
      %add3A_28 = arith.constant 0 : i32
      %add3A_29 = arith.addi %add3A_28, %add3A_27 : i32
      %dma_start3A = tpu.memref_slice %arg2[%add3A_29] : memref<800000xi32, #tpu.memory_space<hbm>> -> memref<160xi32, #tpu.memory_space<hbm>>
      %dma_start3A_30 = tpu.memref_slice %arg2[%add3A_29] : memref<800000xi32, #tpu.memory_space<hbm>> -> memref<160xi32, #tpu.memory_space<hbm>>
      tpu.enqueue_dma source(%dma_start3A_30 : memref<160xi32, #tpu.memory_space<hbm>>) target(%arg5 : memref<160xi32, #tpu.memory_space<vmem>>) target_semaphore(%arg17 : memref<!tpu.dma_semaphore, #tpu.memory_space<semaphore_mem>>)
      %add3A_31 = arith.constant 100000 : i32
      %add3A_32 = arith.addi %add3A_31, %add3A_27 : i32
      %dma_start3A_33 = tpu.memref_slice %arg2[%add3A_32] : memref<800000xi32, #tpu.memory_space<hbm>> -> memref<160xi32, #tpu.memory_space<hbm>>
      %dma_start3A_34 = tpu.memref_slice %arg2[%add3A_32] : memref<800000xi32, #tpu.memory_space<hbm>> -> memref<160xi32, #tpu.memory_space<hbm>>
      tpu.enqueue_dma source(%dma_start3A_34 : memref<160xi32, #tpu.memory_space<hbm>>) target(%arg6 : memref<160xi32, #tpu.memory_space<vmem>>) target_semaphore(%arg17 : memref<!tpu.dma_semaphore, #tpu.memory_space<semaphore_mem>>)
      %add3A_35 = arith.constant 200000 : i32
      %add3A_36 = arith.addi %add3A_35, %add3A_27 : i32
      %dma_start3A_37 = tpu.memref_slice %arg2[%add3A_36] : memref<800000xi32, #tpu.memory_space<hbm>> -> memref<160xi32, #tpu.memory_space<hbm>>
      %dma_start3A_38 = tpu.memref_slice %arg2[%add3A_36] : memref<800000xi32, #tpu.memory_space<hbm>> -> memref<160xi32, #tpu.memory_space<hbm>>
      tpu.enqueue_dma source(%dma_start3A_38 : memref<160xi32, #tpu.memory_space<hbm>>) target(%arg7 : memref<160xi32, #tpu.memory_space<vmem>>) target_semaphore(%arg17 : memref<!tpu.dma_semaphore, #tpu.memory_space<semaphore_mem>>)
    } else {
    }
    %add3A_5 = arith.constant 32 : i32
    %add3A_6 = arith.addi %add3A, %add3A_5 : i32
    %lt3A_7 = arith.constant 625 : i32
    %lt3A_8 = arith.cmpi slt, %add3A_6, %lt3A_7 : i32
    %convert_element_type3A_9 = arith.extui %lt3A_8 : i1 to i32
    %cond3A_10 = arith.constant 0 : i32
    %cond3A_11 = arith.cmpi ne, %convert_element_type3A_9, %cond3A_10 : i32
    scf.if %cond3A_11 {
      %mul3A_24 = arith.constant 160 : i32
      %mul3A_25 = arith.muli %add3A_6, %mul3A_24 : i32
      %add3A_26 = arith.constant 0 : i32
      %add3A_27 = arith.addi %add3A_26, %mul3A_25 : i32
      %add3A_28 = arith.constant 0 : i32
      %add3A_29 = arith.addi %add3A_28, %add3A_27 : i32
      %dma_start3A = tpu.memref_slice %arg2[%add3A_29] : memref<800000xi32, #tpu.memory_space<hbm>> -> memref<160xi32, #tpu.memory_space<hbm>>
      %dma_start3A_30 = tpu.memref_slice %arg2[%add3A_29] : memref<800000xi32, #tpu.memory_space<hbm>> -> memref<160xi32, #tpu.memory_space<hbm>>
      tpu.enqueue_dma source(%dma_start3A_30 : memref<160xi32, #tpu.memory_space<hbm>>) target(%arg8 : memref<160xi32, #tpu.memory_space<vmem>>) target_semaphore(%arg18 : memref<!tpu.dma_semaphore, #tpu.memory_space<semaphore_mem>>)
      %add3A_31 = arith.constant 100000 : i32
      %add3A_32 = arith.addi %add3A_31, %add3A_27 : i32
      %dma_start3A_33 = tpu.memref_slice %arg2[%add3A_32] : memref<800000xi32, #tpu.memory_space<hbm>> -> memref<160xi32, #tpu.memory_space<hbm>>
      %dma_start3A_34 = tpu.memref_slice %arg2[%add3A_32] : memref<800000xi32, #tpu.memory_space<hbm>> -> memref<160xi32, #tpu.memory_space<hbm>>
      tpu.enqueue_dma source(%dma_start3A_34 : memref<160xi32, #tpu.memory_space<hbm>>) target(%arg9 : memref<160xi32, #tpu.memory_space<vmem>>) target_semaphore(%arg18 : memref<!tpu.dma_semaphore, #tpu.memory_space<semaphore_mem>>)
      %add3A_35 = arith.constant 200000 : i32
      %add3A_36 = arith.addi %add3A_35, %add3A_27 : i32
      %dma_start3A_37 = tpu.memref_slice %arg2[%add3A_36] : memref<800000xi32, #tpu.memory_space<hbm>> -> memref<160xi32, #tpu.memory_space<hbm>>
      %dma_start3A_38 = tpu.memref_slice %arg2[%add3A_36] : memref<800000xi32, #tpu.memory_space<hbm>> -> memref<160xi32, #tpu.memory_space<hbm>>
      tpu.enqueue_dma source(%dma_start3A_38 : memref<160xi32, #tpu.memory_space<hbm>>) target(%arg10 : memref<160xi32, #tpu.memory_space<vmem>>) target_semaphore(%arg18 : memref<!tpu.dma_semaphore, #tpu.memory_space<semaphore_mem>>)
    } else {
    }
    %add3A_12 = arith.constant 0 : i32
    %add3A_13 = arith.addi %add3A, %add3A_12 : i32
    %lt3A_14 = arith.constant 625 : i32
    %lt3A_15 = arith.cmpi slt, %add3A_13, %lt3A_14 : i32
    %convert_element_type3A_16 = arith.extui %lt3A_15 : i1 to i32
    %cond3A_17 = arith.constant 0 : i32
    %cond3A_18 = arith.cmpi ne, %convert_element_type3A_16, %cond3A_17 : i32
    scf.if %cond3A_18 {
      %dma_wait3A = arith.constant 0 : i32
      %dma_wait3A_24 = tpu.memref_slice %arg2[%dma_wait3A] : memref<800000xi32, #tpu.memory_space<hbm>> -> memref<160xi32, #tpu.memory_space<hbm>>
      %dma_wait3A_25 = arith.constant 0 : i32
      %dma_wait3A_26 = tpu.memref_slice %arg2[%dma_wait3A_25] : memref<800000xi32, #tpu.memory_space<hbm>> -> memref<160xi32, #tpu.memory_space<hbm>>
      tpu.wait_dma2 semaphore(%arg17 : memref<!tpu.dma_semaphore, #tpu.memory_space<semaphore_mem>>) src(%dma_wait3A_26 : memref<160xi32, #tpu.memory_space<hbm>>) dst(%arg5 : memref<160xi32, #tpu.memory_space<vmem>>)
      %dma_wait3A_27 = arith.constant 0 : i32
      %dma_wait3A_28 = tpu.memref_slice %arg2[%dma_wait3A_27] : memref<800000xi32, #tpu.memory_space<hbm>> -> memref<160xi32, #tpu.memory_space<hbm>>
      %dma_wait3A_29 = arith.constant 0 : i32
      %dma_wait3A_30 = tpu.memref_slice %arg2[%dma_wait3A_29] : memref<800000xi32, #tpu.memory_space<hbm>> -> memref<160xi32, #tpu.memory_space<hbm>>
      tpu.wait_dma2 semaphore(%arg17 : memref<!tpu.dma_semaphore, #tpu.memory_space<semaphore_mem>>) src(%dma_wait3A_30 : memref<160xi32, #tpu.memory_space<hbm>>) dst(%arg6 : memref<160xi32, #tpu.memory_space<vmem>>)
      %dma_wait3A_31 = arith.constant 0 : i32
      %dma_wait3A_32 = tpu.memref_slice %arg2[%dma_wait3A_31] : memref<800000xi32, #tpu.memory_space<hbm>> -> memref<160xi32, #tpu.memory_space<hbm>>
      %dma_wait3A_33 = arith.constant 0 : i32
      %dma_wait3A_34 = tpu.memref_slice %arg2[%dma_wait3A_33] : memref<800000xi32, #tpu.memory_space<hbm>> -> memref<160xi32, #tpu.memory_space<hbm>>
      tpu.wait_dma2 semaphore(%arg17 : memref<!tpu.dma_semaphore, #tpu.memory_space<semaphore_mem>>) src(%dma_wait3A_34 : memref<160xi32, #tpu.memory_space<hbm>>) dst(%arg7 : memref<160xi32, #tpu.memory_space<vmem>>)
      %dma_start3A = arith.constant 0 : i32
      %dma_start3A_35 = arith.constant 0 : i32
      %dma_start3A_36 = tpu.memref_slice %arg3[%dma_start3A, %dma_start3A_35] : memref<21808x128xf32, #tpu.memory_space<hbm>> -> memref<21808x128xf32, #tpu.memory_space<hbm>>
      tpu.enqueue_indirect_dma source(%dma_start3A_36 : memref<21808x128xf32, #tpu.memory_space<hbm>>) target(%arg11 : memref<160x128xf32, #tpu.memory_space<vmem>>) offsets(%arg5 : memref<160xi32, #tpu.memory_space<vmem>>) semaphore(%arg19 : memref<!tpu.dma_semaphore, #tpu.memory_space<semaphore_mem>>)
      %dma_start3A_37 = arith.constant 0 : i32
      %dma_start3A_38 = arith.constant 0 : i32
      %dma_start3A_39 = tpu.memref_slice %arg3[%dma_start3A_37, %dma_start3A_38] : memref<21808x128xf32, #tpu.memory_space<hbm>> -> memref<21808x128xf32, #tpu.memory_space<hbm>>
      tpu.enqueue_indirect_dma source(%dma_start3A_39 : memref<21808x128xf32, #tpu.memory_space<hbm>>) target(%arg12 : memref<160x128xf32, #tpu.memory_space<vmem>>) offsets(%arg6 : memref<160xi32, #tpu.memory_space<vmem>>) semaphore(%arg19 : memref<!tpu.dma_semaphore, #tpu.memory_space<semaphore_mem>>)
      %dma_start3A_40 = arith.constant 0 : i32
      %dma_start3A_41 = arith.constant 0 : i32
      %dma_start3A_42 = tpu.memref_slice %arg3[%dma_start3A_40, %dma_start3A_41] : memref<21808x128xf32, #tpu.memory_space<hbm>> -> memref<21808x128xf32, #tpu.memory_space<hbm>>
      tpu.enqueue_indirect_dma source(%dma_start3A_42 : memref<21808x128xf32, #tpu.memory_space<hbm>>) target(%arg13 : memref<160x128xf32, #tpu.memory_space<vmem>>) offsets(%arg7 : memref<160xi32, #tpu.memory_space<vmem>>) semaphore(%arg19 : memref<!tpu.dma_semaphore, #tpu.memory_space<semaphore_mem>>)
    } else {
    }
    %scan3A = arith.constant 0 : i32
    %scan3A_19 = arith.constant 0 : i32
    %scan3A_20 = arith.constant 10 : i32
    %scan3A_21 = arith.addi %scan3A_19, %scan3A_20 : i32
    %scan3A_22 = arith.constant 1 : i32
    scf.for %scan3A_24 = %scan3A_19 to %scan3A_21 step %scan3A_22  : i32 {
      %mul3A_25 = arith.constant 2 : i32
      %mul3A_26 = arith.muli %mul3A_25, %scan3A_24 : i32
      %add3A_27 = arith.constant 1 : i32
      %add3A_28 = arith.addi %mul3A_26, %add3A_27 : i32
      %mul3A_29 = arith.constant 32 : i32
      %mul3A_30 = arith.muli %add3A_28, %mul3A_29 : i32
      %add3A_31 = arith.addi %add3A, %mul3A_30 : i32
      %lt3A_32 = arith.constant 625 : i32
      %lt3A_33 = arith.cmpi slt, %add3A_31, %lt3A_32 : i32
      %convert_element_type3A_34 = arith.extui %lt3A_33 : i1 to i32
      %cond3A_35 = arith.constant 0 : i32
      %cond3A_36 = arith.cmpi ne, %convert_element_type3A_34, %cond3A_35 : i32
      scf.if %cond3A_36 {
        %dma_wait3A = arith.constant 0 : i32
        %dma_wait3A_83 = tpu.memref_slice %arg2[%dma_wait3A] : memref<800000xi32, #tpu.memory_space<hbm>> -> memref<160xi32, #tpu.memory_space<hbm>>
        %dma_wait3A_84 = arith.constant 0 : i32
        %dma_wait3A_85 = tpu.memref_slice %arg2[%dma_wait3A_84] : memref<800000xi32, #tpu.memory_space<hbm>> -> memref<160xi32, #tpu.memory_space<hbm>>
        tpu.wait_dma2 semaphore(%arg18 : memref<!tpu.dma_semaphore, #tpu.memory_space<semaphore_mem>>) src(%dma_wait3A_85 : memref<160xi32, #tpu.memory_space<hbm>>) dst(%arg8 : memref<160xi32, #tpu.memory_space<vmem>>)
        %dma_wait3A_86 = arith.constant 0 : i32
        %dma_wait3A_87 = tpu.memref_slice %arg2[%dma_wait3A_86] : memref<800000xi32, #tpu.memory_space<hbm>> -> memref<160xi32, #tpu.memory_space<hbm>>
        %dma_wait3A_88 = arith.constant 0 : i32
        %dma_wait3A_89 = tpu.memref_slice %arg2[%dma_wait3A_88] : memref<800000xi32, #tpu.memory_space<hbm>> -> memref<160xi32, #tpu.memory_space<hbm>>
        tpu.wait_dma2 semaphore(%arg18 : memref<!tpu.dma_semaphore, #tpu.memory_space<semaphore_mem>>) src(%dma_wait3A_89 : memref<160xi32, #tpu.memory_space<hbm>>) dst(%arg9 : memref<160xi32, #tpu.memory_space<vmem>>)
        %dma_wait3A_90 = arith.constant 0 : i32
        %dma_wait3A_91 = tpu.memref_slice %arg2[%dma_wait3A_90] : memref<800000xi32, #tpu.memory_space<hbm>> -> memref<160xi32, #tpu.memory_space<hbm>>
        %dma_wait3A_92 = arith.constant 0 : i32
        %dma_wait3A_93 = tpu.memref_slice %arg2[%dma_wait3A_92] : memref<800000xi32, #tpu.memory_space<hbm>> -> memref<160xi32, #tpu.memory_space<hbm>>
        tpu.wait_dma2 semaphore(%arg18 : memref<!tpu.dma_semaphore, #tpu.memory_space<semaphore_mem>>) src(%dma_wait3A_93 : memref<160xi32, #tpu.memory_space<hbm>>) dst(%arg10 : memref<160xi32, #tpu.memory_space<vmem>>)
        %dma_start3A = arith.constant 0 : i32
        %dma_start3A_94 = arith.constant 0 : i32
        %dma_start3A_95 = tpu.memref_slice %arg3[%dma_start3A, %dma_start3A_94] : memref<21808x128xf32, #tpu.memory_space<hbm>> -> memref<21808x128xf32, #tpu.memory_space<hbm>>
        tpu.enqueue_indirect_dma source(%dma_start3A_95 : memref<21808x128xf32, #tpu.memory_space<hbm>>) target(%arg14 : memref<160x128xf32, #tpu.memory_space<vmem>>) offsets(%arg8 : memref<160xi32, #tpu.memory_space<vmem>>) semaphore(%arg20 : memref<!tpu.dma_semaphore, #tpu.memory_space<semaphore_mem>>)
        %dma_start3A_96 = arith.constant 0 : i32
        %dma_start3A_97 = arith.constant 0 : i32
        %dma_start3A_98 = tpu.memref_slice %arg3[%dma_start3A_96, %dma_start3A_97] : memref<21808x128xf32, #tpu.memory_space<hbm>> -> memref<21808x128xf32, #tpu.memory_space<hbm>>
        tpu.enqueue_indirect_dma source(%dma_start3A_98 : memref<21808x128xf32, #tpu.memory_space<hbm>>) target(%arg15 : memref<160x128xf32, #tpu.memory_space<vmem>>) offsets(%arg9 : memref<160xi32, #tpu.memory_space<vmem>>) semaphore(%arg20 : memref<!tpu.dma_semaphore, #tpu.memory_space<semaphore_mem>>)
        %dma_start3A_99 = arith.constant 0 : i32
        %dma_start3A_100 = arith.constant 0 : i32
        %dma_start3A_101 = tpu.memref_slice %arg3[%dma_start3A_99, %dma_start3A_100] : memref<21808x128xf32, #tpu.memory_space<hbm>> -> memref<21808x128xf32, #tpu.memory_space<hbm>>
        tpu.enqueue_indirect_dma source(%dma_start3A_101 : memref<21808x128xf32, #tpu.memory_space<hbm>>) target(%arg16 : memref<160x128xf32, #tpu.memory_space<vmem>>) offsets(%arg10 : memref<160xi32, #tpu.memory_space<vmem>>) semaphore(%arg20 : memref<!tpu.dma_semaphore, #tpu.memory_space<semaphore_mem>>)
      } else {
      }
      %mul3A_37 = arith.constant 32 : i32
      %mul3A_38 = arith.muli %mul3A_26, %mul3A_37 : i32
      %add3A_39 = arith.addi %add3A, %mul3A_38 : i32
      %lt3A_40 = arith.constant 625 : i32
      %lt3A_41 = arith.cmpi slt, %add3A_39, %lt3A_40 : i32
      %convert_element_type3A_42 = arith.extui %lt3A_41 : i1 to i32
      %cond3A_43 = arith.constant 0 : i32
      %cond3A_44 = arith.cmpi ne, %convert_element_type3A_42, %cond3A_43 : i32
      scf.if %cond3A_44 {
        %mul3A_83 = arith.constant 160 : i32
        %mul3A_84 = arith.muli %add3A_39, %mul3A_83 : i32
        %dma_wait3A = arith.constant 0 : i32
        %dma_wait3A_85 = arith.constant 0 : i32
        %dma_wait3A_86 = tpu.memref_slice %arg3[%dma_wait3A, %dma_wait3A_85] : memref<21808x128xf32, #tpu.memory_space<hbm>> -> memref<160x128xf32, #tpu.memory_space<hbm>>
        %dma_wait3A_87 = arith.constant 0 : i32
        %dma_wait3A_88 = arith.constant 0 : i32
        %dma_wait3A_89 = tpu.memref_slice %arg3[%dma_wait3A_87, %dma_wait3A_88] : memref<21808x128xf32, #tpu.memory_space<hbm>> -> memref<160x128xf32, #tpu.memory_space<hbm>>
        tpu.wait_dma2 semaphore(%arg19 : memref<!tpu.dma_semaphore, #tpu.memory_space<semaphore_mem>>) src(%dma_wait3A_89 : memref<160x128xf32, #tpu.memory_space<hbm>>) dst(%arg11 : memref<160x128xf32, #tpu.memory_space<vmem>>)
        %dma_wait3A_90 = arith.constant 0 : i32
        %dma_wait3A_91 = arith.constant 0 : i32
        %dma_wait3A_92 = tpu.memref_slice %arg3[%dma_wait3A_90, %dma_wait3A_91] : memref<21808x128xf32, #tpu.memory_space<hbm>> -> memref<160x128xf32, #tpu.memory_space<hbm>>
        %dma_wait3A_93 = arith.constant 0 : i32
        %dma_wait3A_94 = arith.constant 0 : i32
        %dma_wait3A_95 = tpu.memref_slice %arg3[%dma_wait3A_93, %dma_wait3A_94] : memref<21808x128xf32, #tpu.memory_space<hbm>> -> memref<160x128xf32, #tpu.memory_space<hbm>>
        tpu.wait_dma2 semaphore(%arg19 : memref<!tpu.dma_semaphore, #tpu.memory_space<semaphore_mem>>) src(%dma_wait3A_95 : memref<160x128xf32, #tpu.memory_space<hbm>>) dst(%arg12 : memref<160x128xf32, #tpu.memory_space<vmem>>)
        %dma_wait3A_96 = arith.constant 0 : i32
        %dma_wait3A_97 = arith.constant 0 : i32
        %dma_wait3A_98 = tpu.memref_slice %arg3[%dma_wait3A_96, %dma_wait3A_97] : memref<21808x128xf32, #tpu.memory_space<hbm>> -> memref<160x128xf32, #tpu.memory_space<hbm>>
        %dma_wait3A_99 = arith.constant 0 : i32
        %dma_wait3A_100 = arith.constant 0 : i32
        %dma_wait3A_101 = tpu.memref_slice %arg3[%dma_wait3A_99, %dma_wait3A_100] : memref<21808x128xf32, #tpu.memory_space<hbm>> -> memref<160x128xf32, #tpu.memory_space<hbm>>
        tpu.wait_dma2 semaphore(%arg19 : memref<!tpu.dma_semaphore, #tpu.memory_space<semaphore_mem>>) src(%dma_wait3A_101 : memref<160x128xf32, #tpu.memory_space<hbm>>) dst(%arg13 : memref<160x128xf32, #tpu.memory_space<vmem>>)
        %scan3A_102 = arith.constant 0 : i32
        %scan3A_103 = arith.constant 0 : i32
        %scan3A_104 = arith.constant 160 : i32
        %scan3A_105 = arith.addi %scan3A_103, %scan3A_104 : i32
        %scan3A_106 = arith.constant 1 : i32
        scf.for %scan3A_108 = %scan3A_103 to %scan3A_105 step %scan3A_106  : i32 {
          %get3A = arith.index_cast %scan3A_108 : i32 to index
          %get3A_109 = arith.constant 0 : index
          %get3A_110 = tpu.vector_load %arg11[%get3A, %get3A_109] {strides = array<i32>} : memref<160x128xf32, #tpu.memory_space<vmem>>, vector<1x16xf32>,
          %get3A_111 = vector.shape_cast %get3A_110 : vector<1x16xf32> to vector<16xf32>
          %get3A_112 = arith.index_cast %scan3A_108 : i32 to index
          %get3A_113 = arith.constant 0 : index
          %get3A_114 = tpu.vector_load %arg12[%get3A_112, %get3A_113] {strides = array<i32>} : memref<160x128xf32, #tpu.memory_space<vmem>>, vector<1x16xf32>,
          %get3A_115 = vector.shape_cast %get3A_114 : vector<1x16xf32> to vector<16xf32>
          %get3A_116 = arith.index_cast %scan3A_108 : i32 to index
          %get3A_117 = arith.constant 0 : index
          %get3A_118 = tpu.vector_load %arg13[%get3A_116, %get3A_117] {strides = array<i32>} : memref<160x128xf32, #tpu.memory_space<vmem>>, vector<1x16xf32>,
          %get3A_119 = vector.shape_cast %get3A_118 : vector<1x16xf32> to vector<16xf32>
          %add3A_120 = arith.addf %get3A_115, %get3A_119 : vector<16xf32>
          %add3A_121 = arith.addf %get3A_111, %add3A_120 : vector<16xf32>
          %swap3A = arith.index_cast %scan3A_108 : i32 to index
          %swap3A_122 = arith.constant 0 : index
          %swap3A_123 = tpu.vector_load %arg11[%swap3A, %swap3A_122] {strides = array<i32>} : memref<160x128xf32, #tpu.memory_space<vmem>>, vector<1x16xf32>,
          %swap3A_124 = vector.shape_cast %swap3A_123 : vector<1x16xf32> to vector<16xf32>
          %swap3A_125 = vector.shape_cast %add3A_121 : vector<16xf32> to vector<1x16xf32>
          tpu.vector_store %arg11[%swap3A, %swap3A_122], %swap3A_125 {strides = array<i32>} : memref<160x128xf32, #tpu.memory_space<vmem>>, vector<1x16xf32>,
          %get3A_126 = arith.index_cast %scan3A_108 : i32 to index
          %get3A_127 = arith.constant 16 : index
          %get3A_128 = tpu.vector_load %arg11[%get3A_126, %get3A_127] {strides = array<i32>} : memref<160x128xf32, #tpu.memory_space<vmem>>, vector<1x16xf32>,
          %get3A_129 = vector.shape_cast %get3A_128 : vector<1x16xf32> to vector<16xf32>
          %get3A_130 = arith.index_cast %scan3A_108 : i32 to index
          %get3A_131 = arith.constant 16 : index
          %get3A_132 = tpu.vector_load %arg12[%get3A_130, %get3A_131] {strides = array<i32>} : memref<160x128xf32, #tpu.memory_space<vmem>>, vector<1x16xf32>,
          %get3A_133 = vector.shape_cast %get3A_132 : vector<1x16xf32> to vector<16xf32>
          %get3A_134 = arith.index_cast %scan3A_108 : i32 to index
          %get3A_135 = arith.constant 16 : index
          %get3A_136 = tpu.vector_load %arg13[%get3A_134, %get3A_135] {strides = array<i32>} : memref<160x128xf32, #tpu.memory_space<vmem>>, vector<1x16xf32>,
          %get3A_137 = vector.shape_cast %get3A_136 : vector<1x16xf32> to vector<16xf32>
          %add3A_138 = arith.addf %get3A_133, %get3A_137 : vector<16xf32>
          %add3A_139 = arith.addf %get3A_129, %add3A_138 : vector<16xf32>
          %swap3A_140 = arith.index_cast %scan3A_108 : i32 to index
          %swap3A_141 = arith.constant 16 : index
          %swap3A_142 = tpu.vector_load %arg11[%swap3A_140, %swap3A_141] {strides = array<i32>} : memref<160x128xf32, #tpu.memory_space<vmem>>, vector<1x16xf32>,
          %swap3A_143 = vector.shape_cast %swap3A_142 : vector<1x16xf32> to vector<16xf32>
          %swap3A_144 = vector.shape_cast %add3A_139 : vector<16xf32> to vector<1x16xf32>
          tpu.vector_store %arg11[%swap3A_140, %swap3A_141], %swap3A_144 {strides = array<i32>} : memref<160x128xf32, #tpu.memory_space<vmem>>, vector<1x16xf32>,
          %get3A_145 = arith.index_cast %scan3A_108 : i32 to index
          %get3A_146 = arith.constant 32 : index
          %get3A_147 = tpu.vector_load %arg11[%get3A_145, %get3A_146] {strides = array<i32>} : memref<160x128xf32, #tpu.memory_space<vmem>>, vector<1x16xf32>,
          %get3A_148 = vector.shape_cast %get3A_147 : vector<1x16xf32> to vector<16xf32>
          %get3A_149 = arith.index_cast %scan3A_108 : i32 to index
          %get3A_150 = arith.constant 32 : index
          %get3A_151 = tpu.vector_load %arg12[%get3A_149, %get3A_150] {strides = array<i32>} : memref<160x128xf32, #tpu.memory_space<vmem>>, vector<1x16xf32>,
          %get3A_152 = vector.shape_cast %get3A_151 : vector<1x16xf32> to vector<16xf32>
          %get3A_153 = arith.index_cast %scan3A_108 : i32 to index
          %get3A_154 = arith.constant 32 : index
          %get3A_155 = tpu.vector_load %arg13[%get3A_153, %get3A_154] {strides = array<i32>} : memref<160x128xf32, #tpu.memory_space<vmem>>, vector<1x16xf32>,
          %get3A_156 = vector.shape_cast %get3A_155 : vector<1x16xf32> to vector<16xf32>
          %add3A_157 = arith.addf %get3A_152, %get3A_156 : vector<16xf32>
          %add3A_158 = arith.addf %get3A_148, %add3A_157 : vector<16xf32>
          %swap3A_159 = arith.index_cast %scan3A_108 : i32 to index
          %swap3A_160 = arith.constant 32 : index
          %swap3A_161 = tpu.vector_load %arg11[%swap3A_159, %swap3A_160] {strides = array<i32>} : memref<160x128xf32, #tpu.memory_space<vmem>>, vector<1x16xf32>,
          %swap3A_162 = vector.shape_cast %swap3A_161 : vector<1x16xf32> to vector<16xf32>
          %swap3A_163 = vector.shape_cast %add3A_158 : vector<16xf32> to vector<1x16xf32>
          tpu.vector_store %arg11[%swap3A_159, %swap3A_160], %swap3A_163 {strides = array<i32>} : memref<160x128xf32, #tpu.memory_space<vmem>>, vector<1x16xf32>,
          %get3A_164 = arith.index_cast %scan3A_108 : i32 to index
          %get3A_165 = arith.constant 48 : index
          %get3A_166 = tpu.vector_load %arg11[%get3A_164, %get3A_165] {strides = array<i32>} : memref<160x128xf32, #tpu.memory_space<vmem>>, vector<1x16xf32>,
          %get3A_167 = vector.shape_cast %get3A_166 : vector<1x16xf32> to vector<16xf32>
          %get3A_168 = arith.index_cast %scan3A_108 : i32 to index
          %get3A_169 = arith.constant 48 : index
          %get3A_170 = tpu.vector_load %arg12[%get3A_168, %get3A_169] {strides = array<i32>} : memref<160x128xf32, #tpu.memory_space<vmem>>, vector<1x16xf32>,
          %get3A_171 = vector.shape_cast %get3A_170 : vector<1x16xf32> to vector<16xf32>
          %get3A_172 = arith.index_cast %scan3A_108 : i32 to index
          %get3A_173 = arith.constant 48 : index
          %get3A_174 = tpu.vector_load %arg13[%get3A_172, %get3A_173] {strides = array<i32>} : memref<160x128xf32, #tpu.memory_space<vmem>>, vector<1x16xf32>,
          %get3A_175 = vector.shape_cast %get3A_174 : vector<1x16xf32> to vector<16xf32>
          %add3A_176 = arith.addf %get3A_171, %get3A_175 : vector<16xf32>
          %add3A_177 = arith.addf %get3A_167, %add3A_176 : vector<16xf32>
          %swap3A_178 = arith.index_cast %scan3A_108 : i32 to index
          %swap3A_179 = arith.constant 48 : index
          %swap3A_180 = tpu.vector_load %arg11[%swap3A_178, %swap3A_179] {strides = array<i32>} : memref<160x128xf32, #tpu.memory_space<vmem>>, vector<1x16xf32>,
          %swap3A_181 = vector.shape_cast %swap3A_180 : vector<1x16xf32> to vector<16xf32>
          %swap3A_182 = vector.shape_cast %add3A_177 : vector<16xf32> to vector<1x16xf32>
          tpu.vector_store %arg11[%swap3A_178, %swap3A_179], %swap3A_182 {strides = array<i32>} : memref<160x128xf32, #tpu.memory_space<vmem>>, vector<1x16xf32>,
          %get3A_183 = arith.index_cast %scan3A_108 : i32 to index
          %get3A_184 = arith.constant 64 : index
          %get3A_185 = tpu.vector_load %arg11[%get3A_183, %get3A_184] {strides = array<i32>} : memref<160x128xf32, #tpu.memory_space<vmem>>, vector<1x16xf32>,
          %get3A_186 = vector.shape_cast %get3A_185 : vector<1x16xf32> to vector<16xf32>
          %get3A_187 = arith.index_cast %scan3A_108 : i32 to index
          %get3A_188 = arith.constant 64 : index
          %get3A_189 = tpu.vector_load %arg12[%get3A_187, %get3A_188] {strides = array<i32>} : memref<160x128xf32, #tpu.memory_space<vmem>>, vector<1x16xf32>,
          %get3A_190 = vector.shape_cast %get3A_189 : vector<1x16xf32> to vector<16xf32>
          %get3A_191 = arith.index_cast %scan3A_108 : i32 to index
          %get3A_192 = arith.constant 64 : index
          %get3A_193 = tpu.vector_load %arg13[%get3A_191, %get3A_192] {strides = array<i32>} : memref<160x128xf32, #tpu.memory_space<vmem>>, vector<1x16xf32>,
          %get3A_194 = vector.shape_cast %get3A_193 : vector<1x16xf32> to vector<16xf32>
          %add3A_195 = arith.addf %get3A_190, %get3A_194 : vector<16xf32>
          %add3A_196 = arith.addf %get3A_186, %add3A_195 : vector<16xf32>
          %swap3A_197 = arith.index_cast %scan3A_108 : i32 to index
          %swap3A_198 = arith.constant 64 : index
          %swap3A_199 = tpu.vector_load %arg11[%swap3A_197, %swap3A_198] {strides = array<i32>} : memref<160x128xf32, #tpu.memory_space<vmem>>, vector<1x16xf32>,
          %swap3A_200 = vector.shape_cast %swap3A_199 : vector<1x16xf32> to vector<16xf32>
          %swap3A_201 = vector.shape_cast %add3A_196 : vector<16xf32> to vector<1x16xf32>
          tpu.vector_store %arg11[%swap3A_197, %swap3A_198], %swap3A_201 {strides = array<i32>} : memref<160x128xf32, #tpu.memory_space<vmem>>, vector<1x16xf32>,
          %get3A_202 = arith.index_cast %scan3A_108 : i32 to index
          %get3A_203 = arith.constant 80 : index
          %get3A_204 = tpu.vector_load %arg11[%get3A_202, %get3A_203] {strides = array<i32>} : memref<160x128xf32, #tpu.memory_space<vmem>>, vector<1x16xf32>,
          %get3A_205 = vector.shape_cast %get3A_204 : vector<1x16xf32> to vector<16xf32>
          %get3A_206 = arith.index_cast %scan3A_108 : i32 to index
          %get3A_207 = arith.constant 80 : index
          %get3A_208 = tpu.vector_load %arg12[%get3A_206, %get3A_207] {strides = array<i32>} : memref<160x128xf32, #tpu.memory_space<vmem>>, vector<1x16xf32>,
          %get3A_209 = vector.shape_cast %get3A_208 : vector<1x16xf32> to vector<16xf32>
          %get3A_210 = arith.index_cast %scan3A_108 : i32 to index
          %get3A_211 = arith.constant 80 : index
          %get3A_212 = tpu.vector_load %arg13[%get3A_210, %get3A_211] {strides = array<i32>} : memref<160x128xf32, #tpu.memory_space<vmem>>, vector<1x16xf32>,
          %get3A_213 = vector.shape_cast %get3A_212 : vector<1x16xf32> to vector<16xf32>
          %add3A_214 = arith.addf %get3A_209, %get3A_213 : vector<16xf32>
          %add3A_215 = arith.addf %get3A_205, %add3A_214 : vector<16xf32>
          %swap3A_216 = arith.index_cast %scan3A_108 : i32 to index
          %swap3A_217 = arith.constant 80 : index
          %swap3A_218 = tpu.vector_load %arg11[%swap3A_216, %swap3A_217] {strides = array<i32>} : memref<160x128xf32, #tpu.memory_space<vmem>>, vector<1x16xf32>,
          %swap3A_219 = vector.shape_cast %swap3A_218 : vector<1x16xf32> to vector<16xf32>
          %swap3A_220 = vector.shape_cast %add3A_215 : vector<16xf32> to vector<1x16xf32>
          tpu.vector_store %arg11[%swap3A_216, %swap3A_217], %swap3A_220 {strides = array<i32>} : memref<160x128xf32, #tpu.memory_space<vmem>>, vector<1x16xf32>,
          %get3A_221 = arith.index_cast %scan3A_108 : i32 to index
          %get3A_222 = arith.constant 96 : index
          %get3A_223 = tpu.vector_load %arg11[%get3A_221, %get3A_222] {strides = array<i32>} : memref<160x128xf32, #tpu.memory_space<vmem>>, vector<1x16xf32>,
          %get3A_224 = vector.shape_cast %get3A_223 : vector<1x16xf32> to vector<16xf32>
          %get3A_225 = arith.index_cast %scan3A_108 : i32 to index
          %get3A_226 = arith.constant 96 : index
          %get3A_227 = tpu.vector_load %arg12[%get3A_225, %get3A_226] {strides = array<i32>} : memref<160x128xf32, #tpu.memory_space<vmem>>, vector<1x16xf32>,
          %get3A_228 = vector.shape_cast %get3A_227 : vector<1x16xf32> to vector<16xf32>
          %get3A_229 = arith.index_cast %scan3A_108 : i32 to index
          %get3A_230 = arith.constant 96 : index
          %get3A_231 = tpu.vector_load %arg13[%get3A_229, %get3A_230] {strides = array<i32>} : memref<160x128xf32, #tpu.memory_space<vmem>>, vector<1x16xf32>,
          %get3A_232 = vector.shape_cast %get3A_231 : vector<1x16xf32> to vector<16xf32>
          %add3A_233 = arith.addf %get3A_228, %get3A_232 : vector<16xf32>
          %add3A_234 = arith.addf %get3A_224, %add3A_233 : vector<16xf32>
          %swap3A_235 = arith.index_cast %scan3A_108 : i32 to index
          %swap3A_236 = arith.constant 96 : index
          %swap3A_237 = tpu.vector_load %arg11[%swap3A_235, %swap3A_236] {strides = array<i32>} : memref<160x128xf32, #tpu.memory_space<vmem>>, vector<1x16xf32>,
          %swap3A_238 = vector.shape_cast %swap3A_237 : vector<1x16xf32> to vector<16xf32>
          %swap3A_239 = vector.shape_cast %add3A_234 : vector<16xf32> to vector<1x16xf32>
          tpu.vector_store %arg11[%swap3A_235, %swap3A_236], %swap3A_239 {strides = array<i32>} : memref<160x128xf32, #tpu.memory_space<vmem>>, vector<1x16xf32>,
          %get3A_240 = arith.index_cast %scan3A_108 : i32 to index
          %get3A_241 = arith.constant 112 : index
          %get3A_242 = tpu.vector_load %arg11[%get3A_240, %get3A_241] {strides = array<i32>} : memref<160x128xf32, #tpu.memory_space<vmem>>, vector<1x16xf32>,
          %get3A_243 = vector.shape_cast %get3A_242 : vector<1x16xf32> to vector<16xf32>
          %get3A_244 = arith.index_cast %scan3A_108 : i32 to index
          %get3A_245 = arith.constant 112 : index
          %get3A_246 = tpu.vector_load %arg12[%get3A_244, %get3A_245] {strides = array<i32>} : memref<160x128xf32, #tpu.memory_space<vmem>>, vector<1x16xf32>,
          %get3A_247 = vector.shape_cast %get3A_246 : vector<1x16xf32> to vector<16xf32>
          %get3A_248 = arith.index_cast %scan3A_108 : i32 to index
          %get3A_249 = arith.constant 112 : index
          %get3A_250 = tpu.vector_load %arg13[%get3A_248, %get3A_249] {strides = array<i32>} : memref<160x128xf32, #tpu.memory_space<vmem>>, vector<1x16xf32>,
          %get3A_251 = vector.shape_cast %get3A_250 : vector<1x16xf32> to vector<16xf32>
          %add3A_252 = arith.addf %get3A_247, %get3A_251 : vector<16xf32>
          %add3A_253 = arith.addf %get3A_243, %add3A_252 : vector<16xf32>
          %swap3A_254 = arith.index_cast %scan3A_108 : i32 to index
          %swap3A_255 = arith.constant 112 : index
          %swap3A_256 = tpu.vector_load %arg11[%swap3A_254, %swap3A_255] {strides = array<i32>} : memref<160x128xf32, #tpu.memory_space<vmem>>, vector<1x16xf32>,
          %swap3A_257 = vector.shape_cast %swap3A_256 : vector<1x16xf32> to vector<16xf32>
          %swap3A_258 = vector.shape_cast %add3A_253 : vector<16xf32> to vector<1x16xf32>
          tpu.vector_store %arg11[%swap3A_254, %swap3A_255], %swap3A_258 {strides = array<i32>} : memref<160x128xf32, #tpu.memory_space<vmem>>, vector<1x16xf32>,
        }
        %scan3A_107 = arith.constant 160 : i32
        "tpu.region"() ({
          %run_scoped3A = tpu.sem_alloc : memref<!tpu.dma_semaphore, #tpu.memory_space<semaphore_mem>>
          %dma_start3A = arith.constant 0 : i32
          %dma_start3A_108 = tpu.memref_slice %arg4[%mul3A_84, %dma_start3A] : memref<100000x128xf32, #tpu.memory_space<hbm>> -> memref<160x128xf32, #tpu.memory_space<hbm>>
          %dma_start3A_109 = arith.constant 0 : i32
          %dma_start3A_110 = tpu.memref_slice %arg4[%mul3A_84, %dma_start3A_109] : memref<100000x128xf32, #tpu.memory_space<hbm>> -> memref<160x128xf32, #tpu.memory_space<hbm>>
          tpu.enqueue_dma source(%arg11 : memref<160x128xf32, #tpu.memory_space<vmem>>) target(%dma_start3A_110 : memref<160x128xf32, #tpu.memory_space<hbm>>) target_semaphore(%run_scoped3A : memref<!tpu.dma_semaphore, #tpu.memory_space<semaphore_mem>>)
          %dma_wait3A_111 = arith.constant 0 : i32
          %dma_wait3A_112 = tpu.memref_slice %arg4[%mul3A_84, %dma_wait3A_111] : memref<100000x128xf32, #tpu.memory_space<hbm>> -> memref<160x128xf32, #tpu.memory_space<hbm>>
          %dma_wait3A_113 = arith.constant 0 : i32
          %dma_wait3A_114 = tpu.memref_slice %arg4[%mul3A_84, %dma_wait3A_113] : memref<100000x128xf32, #tpu.memory_space<hbm>> -> memref<160x128xf32, #tpu.memory_space<hbm>>
          tpu.wait_dma2 semaphore(%run_scoped3A : memref<!tpu.dma_semaphore, #tpu.memory_space<semaphore_mem>>) src(%arg11 : memref<160x128xf32, #tpu.memory_space<vmem>>) dst(%dma_wait3A_114 : memref<160x128xf32, #tpu.memory_space<hbm>>)
          tpu.yield
        }) : () -> ()
      } else {
      }
      %add3A_45 = arith.constant 2 : i32
      %add3A_46 = arith.addi %mul3A_26, %add3A_45 : i32
      %mul3A_47 = arith.constant 32 : i32
      %mul3A_48 = arith.muli %add3A_46, %mul3A_47 : i32
      %add3A_49 = arith.addi %add3A, %mul3A_48 : i32
      %lt3A_50 = arith.constant 625 : i32
      %lt3A_51 = arith.cmpi slt, %add3A_49, %lt3A_50 : i32
      %convert_element_type3A_52 = arith.extui %lt3A_51 : i1 to i32
      %cond3A_53 = arith.constant 0 : i32
      %cond3A_54 = arith.cmpi ne, %convert_element_type3A_52, %cond3A_53 : i32
      scf.if %cond3A_54 {
        %mul3A_83 = arith.constant 160 : i32
        %mul3A_84 = arith.muli %add3A_49, %mul3A_83 : i32
        %add3A_85 = arith.constant 0 : i32
        %add3A_86 = arith.addi %add3A_85, %mul3A_84 : i32
        %add3A_87 = arith.constant 0 : i32
        %add3A_88 = arith.addi %add3A_87, %add3A_86 : i32
        %dma_start3A = tpu.memref_slice %arg2[%add3A_88] : memref<800000xi32, #tpu.memory_space<hbm>> -> memref<160xi32, #tpu.memory_space<hbm>>
        %dma_start3A_89 = tpu.memref_slice %arg2[%add3A_88] : memref<800000xi32, #tpu.memory_space<hbm>> -> memref<160xi32, #tpu.memory_space<hbm>>
        tpu.enqueue_dma source(%dma_start3A_89 : memref<160xi32, #tpu.memory_space<hbm>>) target(%arg5 : memref<160xi32, #tpu.memory_space<vmem>>) target_semaphore(%arg17 : memref<!tpu.dma_semaphore, #tpu.memory_space<semaphore_mem>>)
        %add3A_90 = arith.constant 100000 : i32
        %add3A_91 = arith.addi %add3A_90, %add3A_86 : i32
        %dma_start3A_92 = tpu.memref_slice %arg2[%add3A_91] : memref<800000xi32, #tpu.memory_space<hbm>> -> memref<160xi32, #tpu.memory_space<hbm>>
        %dma_start3A_93 = tpu.memref_slice %arg2[%add3A_91] : memref<800000xi32, #tpu.memory_space<hbm>> -> memref<160xi32, #tpu.memory_space<hbm>>
        tpu.enqueue_dma source(%dma_start3A_93 : memref<160xi32, #tpu.memory_space<hbm>>) target(%arg6 : memref<160xi32, #tpu.memory_space<vmem>>) target_semaphore(%arg17 : memref<!tpu.dma_semaphore, #tpu.memory_space<semaphore_mem>>)
        %add3A_94 = arith.constant 200000 : i32
        %add3A_95 = arith.addi %add3A_94, %add3A_86 : i32
        %dma_start3A_96 = tpu.memref_slice %arg2[%add3A_95] : memref<800000xi32, #tpu.memory_space<hbm>> -> memref<160xi32, #tpu.memory_space<hbm>>
        %dma_start3A_97 = tpu.memref_slice %arg2[%add3A_95] : memref<800000xi32, #tpu.memory_space<hbm>> -> memref<160xi32, #tpu.memory_space<hbm>>
        tpu.enqueue_dma source(%dma_start3A_97 : memref<160xi32, #tpu.memory_space<hbm>>) target(%arg7 : memref<160xi32, #tpu.memory_space<vmem>>) target_semaphore(%arg17 : memref<!tpu.dma_semaphore, #tpu.memory_space<semaphore_mem>>)
      } else {
      }
      %add3A_55 = arith.constant 2 : i32
      %add3A_56 = arith.addi %mul3A_26, %add3A_55 : i32
      %mul3A_57 = arith.constant 32 : i32
      %mul3A_58 = arith.muli %add3A_56, %mul3A_57 : i32
      %add3A_59 = arith.addi %add3A, %mul3A_58 : i32
      %lt3A_60 = arith.constant 625 : i32
      %lt3A_61 = arith.cmpi slt, %add3A_59, %lt3A_60 : i32
      %convert_element_type3A_62 = arith.extui %lt3A_61 : i1 to i32
      %cond3A_63 = arith.constant 0 : i32
      %cond3A_64 = arith.cmpi ne, %convert_element_type3A_62, %cond3A_63 : i32
      scf.if %cond3A_64 {
        %dma_wait3A = arith.constant 0 : i32
        %dma_wait3A_83 = tpu.memref_slice %arg2[%dma_wait3A] : memref<800000xi32, #tpu.memory_space<hbm>> -> memref<160xi32, #tpu.memory_space<hbm>>
        %dma_wait3A_84 = arith.constant 0 : i32
        %dma_wait3A_85 = tpu.memref_slice %arg2[%dma_wait3A_84] : memref<800000xi32, #tpu.memory_space<hbm>> -> memref<160xi32, #tpu.memory_space<hbm>>
        tpu.wait_dma2 semaphore(%arg17 : memref<!tpu.dma_semaphore, #tpu.memory_space<semaphore_mem>>) src(%dma_wait3A_85 : memref<160xi32, #tpu.memory_space<hbm>>) dst(%arg5 : memref<160xi32, #tpu.memory_space<vmem>>)
        %dma_wait3A_86 = arith.constant 0 : i32
        %dma_wait3A_87 = tpu.memref_slice %arg2[%dma_wait3A_86] : memref<800000xi32, #tpu.memory_space<hbm>> -> memref<160xi32, #tpu.memory_space<hbm>>
        %dma_wait3A_88 = arith.constant 0 : i32
        %dma_wait3A_89 = tpu.memref_slice %arg2[%dma_wait3A_88] : memref<800000xi32, #tpu.memory_space<hbm>> -> memref<160xi32, #tpu.memory_space<hbm>>
        tpu.wait_dma2 semaphore(%arg17 : memref<!tpu.dma_semaphore, #tpu.memory_space<semaphore_mem>>) src(%dma_wait3A_89 : memref<160xi32, #tpu.memory_space<hbm>>) dst(%arg6 : memref<160xi32, #tpu.memory_space<vmem>>)
        %dma_wait3A_90 = arith.constant 0 : i32
        %dma_wait3A_91 = tpu.memref_slice %arg2[%dma_wait3A_90] : memref<800000xi32, #tpu.memory_space<hbm>> -> memref<160xi32, #tpu.memory_space<hbm>>
        %dma_wait3A_92 = arith.constant 0 : i32
        %dma_wait3A_93 = tpu.memref_slice %arg2[%dma_wait3A_92] : memref<800000xi32, #tpu.memory_space<hbm>> -> memref<160xi32, #tpu.memory_space<hbm>>
        tpu.wait_dma2 semaphore(%arg17 : memref<!tpu.dma_semaphore, #tpu.memory_space<semaphore_mem>>) src(%dma_wait3A_93 : memref<160xi32, #tpu.memory_space<hbm>>) dst(%arg7 : memref<160xi32, #tpu.memory_space<vmem>>)
        %dma_start3A = arith.constant 0 : i32
        %dma_start3A_94 = arith.constant 0 : i32
        %dma_start3A_95 = tpu.memref_slice %arg3[%dma_start3A, %dma_start3A_94] : memref<21808x128xf32, #tpu.memory_space<hbm>> -> memref<21808x128xf32, #tpu.memory_space<hbm>>
        tpu.enqueue_indirect_dma source(%dma_start3A_95 : memref<21808x128xf32, #tpu.memory_space<hbm>>) target(%arg11 : memref<160x128xf32, #tpu.memory_space<vmem>>) offsets(%arg5 : memref<160xi32, #tpu.memory_space<vmem>>) semaphore(%arg19 : memref<!tpu.dma_semaphore, #tpu.memory_space<semaphore_mem>>)
        %dma_start3A_96 = arith.constant 0 : i32
        %dma_start3A_97 = arith.constant 0 : i32
        %dma_start3A_98 = tpu.memref_slice %arg3[%dma_start3A_96, %dma_start3A_97] : memref<21808x128xf32, #tpu.memory_space<hbm>> -> memref<21808x128xf32, #tpu.memory_space<hbm>>
        tpu.enqueue_indirect_dma source(%dma_start3A_98 : memref<21808x128xf32, #tpu.memory_space<hbm>>) target(%arg12 : memref<160x128xf32, #tpu.memory_space<vmem>>) offsets(%arg6 : memref<160xi32, #tpu.memory_space<vmem>>) semaphore(%arg19 : memref<!tpu.dma_semaphore, #tpu.memory_space<semaphore_mem>>)
        %dma_start3A_99 = arith.constant 0 : i32
        %dma_start3A_100 = arith.constant 0 : i32
        %dma_start3A_101 = tpu.memref_slice %arg3[%dma_start3A_99, %dma_start3A_100] : memref<21808x128xf32, #tpu.memory_space<hbm>> -> memref<21808x128xf32, #tpu.memory_space<hbm>>
        tpu.enqueue_indirect_dma source(%dma_start3A_101 : memref<21808x128xf32, #tpu.memory_space<hbm>>) target(%arg13 : memref<160x128xf32, #tpu.memory_space<vmem>>) offsets(%arg7 : memref<160xi32, #tpu.memory_space<vmem>>) semaphore(%arg19 : memref<!tpu.dma_semaphore, #tpu.memory_space<semaphore_mem>>)
      } else {
      }
      %mul3A_65 = arith.constant 32 : i32
      %mul3A_66 = arith.muli %add3A_28, %mul3A_65 : i32
      %add3A_67 = arith.addi %add3A, %mul3A_66 : i32
      %lt3A_68 = arith.constant 625 : i32
      %lt3A_69 = arith.cmpi slt, %add3A_67, %lt3A_68 : i32
      %convert_element_type3A_70 = arith.extui %lt3A_69 : i1 to i32
      %cond3A_71 = arith.constant 0 : i32
      %cond3A_72 = arith.cmpi ne, %convert_element_type3A_70, %cond3A_71 : i32
      scf.if %cond3A_72 {
        %mul3A_83 = arith.constant 160 : i32
        %mul3A_84 = arith.muli %add3A_67, %mul3A_83 : i32
        %dma_wait3A = arith.constant 0 : i32
        %dma_wait3A_85 = arith.constant 0 : i32
        %dma_wait3A_86 = tpu.memref_slice %arg3[%dma_wait3A, %dma_wait3A_85] : memref<21808x128xf32, #tpu.memory_space<hbm>> -> memref<160x128xf32, #tpu.memory_space<hbm>>
        %dma_wait3A_87 = arith.constant 0 : i32
        %dma_wait3A_88 = arith.constant 0 : i32
        %dma_wait3A_89 = tpu.memref_slice %arg3[%dma_wait3A_87, %dma_wait3A_88] : memref<21808x128xf32, #tpu.memory_space<hbm>> -> memref<160x128xf32, #tpu.memory_space<hbm>>
        tpu.wait_dma2 semaphore(%arg20 : memref<!tpu.dma_semaphore, #tpu.memory_space<semaphore_mem>>) src(%dma_wait3A_89 : memref<160x128xf32, #tpu.memory_space<hbm>>) dst(%arg14 : memref<160x128xf32, #tpu.memory_space<vmem>>)
        %dma_wait3A_90 = arith.constant 0 : i32
        %dma_wait3A_91 = arith.constant 0 : i32
        %dma_wait3A_92 = tpu.memref_slice %arg3[%dma_wait3A_90, %dma_wait3A_91] : memref<21808x128xf32, #tpu.memory_space<hbm>> -> memref<160x128xf32, #tpu.memory_space<hbm>>
        %dma_wait3A_93 = arith.constant 0 : i32
        %dma_wait3A_94 = arith.constant 0 : i32
        %dma_wait3A_95 = tpu.memref_slice %arg3[%dma_wait3A_93, %dma_wait3A_94] : memref<21808x128xf32, #tpu.memory_space<hbm>> -> memref<160x128xf32, #tpu.memory_space<hbm>>
        tpu.wait_dma2 semaphore(%arg20 : memref<!tpu.dma_semaphore, #tpu.memory_space<semaphore_mem>>) src(%dma_wait3A_95 : memref<160x128xf32, #tpu.memory_space<hbm>>) dst(%arg15 : memref<160x128xf32, #tpu.memory_space<vmem>>)
        %dma_wait3A_96 = arith.constant 0 : i32
        %dma_wait3A_97 = arith.constant 0 : i32
        %dma_wait3A_98 = tpu.memref_slice %arg3[%dma_wait3A_96, %dma_wait3A_97] : memref<21808x128xf32, #tpu.memory_space<hbm>> -> memref<160x128xf32, #tpu.memory_space<hbm>>
        %dma_wait3A_99 = arith.constant 0 : i32
        %dma_wait3A_100 = arith.constant 0 : i32
        %dma_wait3A_101 = tpu.memref_slice %arg3[%dma_wait3A_99, %dma_wait3A_100] : memref<21808x128xf32, #tpu.memory_space<hbm>> -> memref<160x128xf32, #tpu.memory_space<hbm>>
        tpu.wait_dma2 semaphore(%arg20 : memref<!tpu.dma_semaphore, #tpu.memory_space<semaphore_mem>>) src(%dma_wait3A_101 : memref<160x128xf32, #tpu.memory_space<hbm>>) dst(%arg16 : memref<160x128xf32, #tpu.memory_space<vmem>>)
        %scan3A_102 = arith.constant 0 : i32
        %scan3A_103 = arith.constant 0 : i32
        %scan3A_104 = arith.constant 160 : i32
        %scan3A_105 = arith.addi %scan3A_103, %scan3A_104 : i32
        %scan3A_106 = arith.constant 1 : i32
        scf.for %scan3A_108 = %scan3A_103 to %scan3A_105 step %scan3A_106  : i32 {
          %get3A = arith.index_cast %scan3A_108 : i32 to index
          %get3A_109 = arith.constant 0 : index
          %get3A_110 = tpu.vector_load %arg14[%get3A, %get3A_109] {strides = array<i32>} : memref<160x128xf32, #tpu.memory_space<vmem>>, vector<1x16xf32>,
          %get3A_111 = vector.shape_cast %get3A_110 : vector<1x16xf32> to vector<16xf32>
          %get3A_112 = arith.index_cast %scan3A_108 : i32 to index
          %get3A_113 = arith.constant 0 : index
          %get3A_114 = tpu.vector_load %arg15[%get3A_112, %get3A_113] {strides = array<i32>} : memref<160x128xf32, #tpu.memory_space<vmem>>, vector<1x16xf32>,
          %get3A_115 = vector.shape_cast %get3A_114 : vector<1x16xf32> to vector<16xf32>
          %get3A_116 = arith.index_cast %scan3A_108 : i32 to index
          %get3A_117 = arith.constant 0 : index
          %get3A_118 = tpu.vector_load %arg16[%get3A_116, %get3A_117] {strides = array<i32>} : memref<160x128xf32, #tpu.memory_space<vmem>>, vector<1x16xf32>,
          %get3A_119 = vector.shape_cast %get3A_118 : vector<1x16xf32> to vector<16xf32>
          %add3A_120 = arith.addf %get3A_115, %get3A_119 : vector<16xf32>
          %add3A_121 = arith.addf %get3A_111, %add3A_120 : vector<16xf32>
          %swap3A = arith.index_cast %scan3A_108 : i32 to index
          %swap3A_122 = arith.constant 0 : index
          %swap3A_123 = tpu.vector_load %arg14[%swap3A, %swap3A_122] {strides = array<i32>} : memref<160x128xf32, #tpu.memory_space<vmem>>, vector<1x16xf32>,
          %swap3A_124 = vector.shape_cast %swap3A_123 : vector<1x16xf32> to vector<16xf32>
          %swap3A_125 = vector.shape_cast %add3A_121 : vector<16xf32> to vector<1x16xf32>
          tpu.vector_store %arg14[%swap3A, %swap3A_122], %swap3A_125 {strides = array<i32>} : memref<160x128xf32, #tpu.memory_space<vmem>>, vector<1x16xf32>,
          %get3A_126 = arith.index_cast %scan3A_108 : i32 to index
          %get3A_127 = arith.constant 16 : index
          %get3A_128 = tpu.vector_load %arg14[%get3A_126, %get3A_127] {strides = array<i32>} : memref<160x128xf32, #tpu.memory_space<vmem>>, vector<1x16xf32>,
          %get3A_129 = vector.shape_cast %get3A_128 : vector<1x16xf32> to vector<16xf32>
          %get3A_130 = arith.index_cast %scan3A_108 : i32 to index
          %get3A_131 = arith.constant 16 : index
          %get3A_132 = tpu.vector_load %arg15[%get3A_130, %get3A_131] {strides = array<i32>} : memref<160x128xf32, #tpu.memory_space<vmem>>, vector<1x16xf32>,
          %get3A_133 = vector.shape_cast %get3A_132 : vector<1x16xf32> to vector<16xf32>
          %get3A_134 = arith.index_cast %scan3A_108 : i32 to index
          %get3A_135 = arith.constant 16 : index
          %get3A_136 = tpu.vector_load %arg16[%get3A_134, %get3A_135] {strides = array<i32>} : memref<160x128xf32, #tpu.memory_space<vmem>>, vector<1x16xf32>,
          %get3A_137 = vector.shape_cast %get3A_136 : vector<1x16xf32> to vector<16xf32>
          %add3A_138 = arith.addf %get3A_133, %get3A_137 : vector<16xf32>
          %add3A_139 = arith.addf %get3A_129, %add3A_138 : vector<16xf32>
          %swap3A_140 = arith.index_cast %scan3A_108 : i32 to index
          %swap3A_141 = arith.constant 16 : index
          %swap3A_142 = tpu.vector_load %arg14[%swap3A_140, %swap3A_141] {strides = array<i32>} : memref<160x128xf32, #tpu.memory_space<vmem>>, vector<1x16xf32>,
          %swap3A_143 = vector.shape_cast %swap3A_142 : vector<1x16xf32> to vector<16xf32>
          %swap3A_144 = vector.shape_cast %add3A_139 : vector<16xf32> to vector<1x16xf32>
          tpu.vector_store %arg14[%swap3A_140, %swap3A_141], %swap3A_144 {strides = array<i32>} : memref<160x128xf32, #tpu.memory_space<vmem>>, vector<1x16xf32>,
          %get3A_145 = arith.index_cast %scan3A_108 : i32 to index
          %get3A_146 = arith.constant 32 : index
          %get3A_147 = tpu.vector_load %arg14[%get3A_145, %get3A_146] {strides = array<i32>} : memref<160x128xf32, #tpu.memory_space<vmem>>, vector<1x16xf32>,
          %get3A_148 = vector.shape_cast %get3A_147 : vector<1x16xf32> to vector<16xf32>
          %get3A_149 = arith.index_cast %scan3A_108 : i32 to index
          %get3A_150 = arith.constant 32 : index
          %get3A_151 = tpu.vector_load %arg15[%get3A_149, %get3A_150] {strides = array<i32>} : memref<160x128xf32, #tpu.memory_space<vmem>>, vector<1x16xf32>,
          %get3A_152 = vector.shape_cast %get3A_151 : vector<1x16xf32> to vector<16xf32>
          %get3A_153 = arith.index_cast %scan3A_108 : i32 to index
          %get3A_154 = arith.constant 32 : index
          %get3A_155 = tpu.vector_load %arg16[%get3A_153, %get3A_154] {strides = array<i32>} : memref<160x128xf32, #tpu.memory_space<vmem>>, vector<1x16xf32>,
          %get3A_156 = vector.shape_cast %get3A_155 : vector<1x16xf32> to vector<16xf32>
          %add3A_157 = arith.addf %get3A_152, %get3A_156 : vector<16xf32>
          %add3A_158 = arith.addf %get3A_148, %add3A_157 : vector<16xf32>
          %swap3A_159 = arith.index_cast %scan3A_108 : i32 to index
          %swap3A_160 = arith.constant 32 : index
          %swap3A_161 = tpu.vector_load %arg14[%swap3A_159, %swap3A_160] {strides = array<i32>} : memref<160x128xf32, #tpu.memory_space<vmem>>, vector<1x16xf32>,
          %swap3A_162 = vector.shape_cast %swap3A_161 : vector<1x16xf32> to vector<16xf32>
          %swap3A_163 = vector.shape_cast %add3A_158 : vector<16xf32> to vector<1x16xf32>
          tpu.vector_store %arg14[%swap3A_159, %swap3A_160], %swap3A_163 {strides = array<i32>} : memref<160x128xf32, #tpu.memory_space<vmem>>, vector<1x16xf32>,
          %get3A_164 = arith.index_cast %scan3A_108 : i32 to index
          %get3A_165 = arith.constant 48 : index
          %get3A_166 = tpu.vector_load %arg14[%get3A_164, %get3A_165] {strides = array<i32>} : memref<160x128xf32, #tpu.memory_space<vmem>>, vector<1x16xf32>,
          %get3A_167 = vector.shape_cast %get3A_166 : vector<1x16xf32> to vector<16xf32>
          %get3A_168 = arith.index_cast %scan3A_108 : i32 to index
          %get3A_169 = arith.constant 48 : index
          %get3A_170 = tpu.vector_load %arg15[%get3A_168, %get3A_169] {strides = array<i32>} : memref<160x128xf32, #tpu.memory_space<vmem>>, vector<1x16xf32>,
          %get3A_171 = vector.shape_cast %get3A_170 : vector<1x16xf32> to vector<16xf32>
          %get3A_172 = arith.index_cast %scan3A_108 : i32 to index
          %get3A_173 = arith.constant 48 : index
          %get3A_174 = tpu.vector_load %arg16[%get3A_172, %get3A_173] {strides = array<i32>} : memref<160x128xf32, #tpu.memory_space<vmem>>, vector<1x16xf32>,
          %get3A_175 = vector.shape_cast %get3A_174 : vector<1x16xf32> to vector<16xf32>
          %add3A_176 = arith.addf %get3A_171, %get3A_175 : vector<16xf32>
          %add3A_177 = arith.addf %get3A_167, %add3A_176 : vector<16xf32>
          %swap3A_178 = arith.index_cast %scan3A_108 : i32 to index
          %swap3A_179 = arith.constant 48 : index
          %swap3A_180 = tpu.vector_load %arg14[%swap3A_178, %swap3A_179] {strides = array<i32>} : memref<160x128xf32, #tpu.memory_space<vmem>>, vector<1x16xf32>,
          %swap3A_181 = vector.shape_cast %swap3A_180 : vector<1x16xf32> to vector<16xf32>
          %swap3A_182 = vector.shape_cast %add3A_177 : vector<16xf32> to vector<1x16xf32>
          tpu.vector_store %arg14[%swap3A_178, %swap3A_179], %swap3A_182 {strides = array<i32>} : memref<160x128xf32, #tpu.memory_space<vmem>>, vector<1x16xf32>,
          %get3A_183 = arith.index_cast %scan3A_108 : i32 to index
          %get3A_184 = arith.constant 64 : index
          %get3A_185 = tpu.vector_load %arg14[%get3A_183, %get3A_184] {strides = array<i32>} : memref<160x128xf32, #tpu.memory_space<vmem>>, vector<1x16xf32>,
          %get3A_186 = vector.shape_cast %get3A_185 : vector<1x16xf32> to vector<16xf32>
          %get3A_187 = arith.index_cast %scan3A_108 : i32 to index
          %get3A_188 = arith.constant 64 : index
          %get3A_189 = tpu.vector_load %arg15[%get3A_187, %get3A_188] {strides = array<i32>} : memref<160x128xf32, #tpu.memory_space<vmem>>, vector<1x16xf32>,
          %get3A_190 = vector.shape_cast %get3A_189 : vector<1x16xf32> to vector<16xf32>
          %get3A_191 = arith.index_cast %scan3A_108 : i32 to index
          %get3A_192 = arith.constant 64 : index
          %get3A_193 = tpu.vector_load %arg16[%get3A_191, %get3A_192] {strides = array<i32>} : memref<160x128xf32, #tpu.memory_space<vmem>>, vector<1x16xf32>,
          %get3A_194 = vector.shape_cast %get3A_193 : vector<1x16xf32> to vector<16xf32>
          %add3A_195 = arith.addf %get3A_190, %get3A_194 : vector<16xf32>
          %add3A_196 = arith.addf %get3A_186, %add3A_195 : vector<16xf32>
          %swap3A_197 = arith.index_cast %scan3A_108 : i32 to index
          %swap3A_198 = arith.constant 64 : index
          %swap3A_199 = tpu.vector_load %arg14[%swap3A_197, %swap3A_198] {strides = array<i32>} : memref<160x128xf32, #tpu.memory_space<vmem>>, vector<1x16xf32>,
          %swap3A_200 = vector.shape_cast %swap3A_199 : vector<1x16xf32> to vector<16xf32>
          %swap3A_201 = vector.shape_cast %add3A_196 : vector<16xf32> to vector<1x16xf32>
          tpu.vector_store %arg14[%swap3A_197, %swap3A_198], %swap3A_201 {strides = array<i32>} : memref<160x128xf32, #tpu.memory_space<vmem>>, vector<1x16xf32>,
          %get3A_202 = arith.index_cast %scan3A_108 : i32 to index
          %get3A_203 = arith.constant 80 : index
          %get3A_204 = tpu.vector_load %arg14[%get3A_202, %get3A_203] {strides = array<i32>} : memref<160x128xf32, #tpu.memory_space<vmem>>, vector<1x16xf32>,
          %get3A_205 = vector.shape_cast %get3A_204 : vector<1x16xf32> to vector<16xf32>
          %get3A_206 = arith.index_cast %scan3A_108 : i32 to index
          %get3A_207 = arith.constant 80 : index
          %get3A_208 = tpu.vector_load %arg15[%get3A_206, %get3A_207] {strides = array<i32>} : memref<160x128xf32, #tpu.memory_space<vmem>>, vector<1x16xf32>,
          %get3A_209 = vector.shape_cast %get3A_208 : vector<1x16xf32> to vector<16xf32>
          %get3A_210 = arith.index_cast %scan3A_108 : i32 to index
          %get3A_211 = arith.constant 80 : index
          %get3A_212 = tpu.vector_load %arg16[%get3A_210, %get3A_211] {strides = array<i32>} : memref<160x128xf32, #tpu.memory_space<vmem>>, vector<1x16xf32>,
          %get3A_213 = vector.shape_cast %get3A_212 : vector<1x16xf32> to vector<16xf32>
          %add3A_214 = arith.addf %get3A_209, %get3A_213 : vector<16xf32>
          %add3A_215 = arith.addf %get3A_205, %add3A_214 : vector<16xf32>
          %swap3A_216 = arith.index_cast %scan3A_108 : i32 to index
          %swap3A_217 = arith.constant 80 : index
          %swap3A_218 = tpu.vector_load %arg14[%swap3A_216, %swap3A_217] {strides = array<i32>} : memref<160x128xf32, #tpu.memory_space<vmem>>, vector<1x16xf32>,
          %swap3A_219 = vector.shape_cast %swap3A_218 : vector<1x16xf32> to vector<16xf32>
          %swap3A_220 = vector.shape_cast %add3A_215 : vector<16xf32> to vector<1x16xf32>
          tpu.vector_store %arg14[%swap3A_216, %swap3A_217], %swap3A_220 {strides = array<i32>} : memref<160x128xf32, #tpu.memory_space<vmem>>, vector<1x16xf32>,
          %get3A_221 = arith.index_cast %scan3A_108 : i32 to index
          %get3A_222 = arith.constant 96 : index
          %get3A_223 = tpu.vector_load %arg14[%get3A_221, %get3A_222] {strides = array<i32>} : memref<160x128xf32, #tpu.memory_space<vmem>>, vector<1x16xf32>,
          %get3A_224 = vector.shape_cast %get3A_223 : vector<1x16xf32> to vector<16xf32>
          %get3A_225 = arith.index_cast %scan3A_108 : i32 to index
          %get3A_226 = arith.constant 96 : index
          %get3A_227 = tpu.vector_load %arg15[%get3A_225, %get3A_226] {strides = array<i32>} : memref<160x128xf32, #tpu.memory_space<vmem>>, vector<1x16xf32>,
          %get3A_228 = vector.shape_cast %get3A_227 : vector<1x16xf32> to vector<16xf32>
          %get3A_229 = arith.index_cast %scan3A_108 : i32 to index
          %get3A_230 = arith.constant 96 : index
          %get3A_231 = tpu.vector_load %arg16[%get3A_229, %get3A_230] {strides = array<i32>} : memref<160x128xf32, #tpu.memory_space<vmem>>, vector<1x16xf32>,
          %get3A_232 = vector.shape_cast %get3A_231 : vector<1x16xf32> to vector<16xf32>
          %add3A_233 = arith.addf %get3A_228, %get3A_232 : vector<16xf32>
          %add3A_234 = arith.addf %get3A_224, %add3A_233 : vector<16xf32>
          %swap3A_235 = arith.index_cast %scan3A_108 : i32 to index
          %swap3A_236 = arith.constant 96 : index
          %swap3A_237 = tpu.vector_load %arg14[%swap3A_235, %swap3A_236] {strides = array<i32>} : memref<160x128xf32, #tpu.memory_space<vmem>>, vector<1x16xf32>,
          %swap3A_238 = vector.shape_cast %swap3A_237 : vector<1x16xf32> to vector<16xf32>
          %swap3A_239 = vector.shape_cast %add3A_234 : vector<16xf32> to vector<1x16xf32>
          tpu.vector_store %arg14[%swap3A_235, %swap3A_236], %swap3A_239 {strides = array<i32>} : memref<160x128xf32, #tpu.memory_space<vmem>>, vector<1x16xf32>,
          %get3A_240 = arith.index_cast %scan3A_108 : i32 to index
          %get3A_241 = arith.constant 112 : index
          %get3A_242 = tpu.vector_load %arg14[%get3A_240, %get3A_241] {strides = array<i32>} : memref<160x128xf32, #tpu.memory_space<vmem>>, vector<1x16xf32>,
          %get3A_243 = vector.shape_cast %get3A_242 : vector<1x16xf32> to vector<16xf32>
          %get3A_244 = arith.index_cast %scan3A_108 : i32 to index
          %get3A_245 = arith.constant 112 : index
          %get3A_246 = tpu.vector_load %arg15[%get3A_244, %get3A_245] {strides = array<i32>} : memref<160x128xf32, #tpu.memory_space<vmem>>, vector<1x16xf32>,
          %get3A_247 = vector.shape_cast %get3A_246 : vector<1x16xf32> to vector<16xf32>
          %get3A_248 = arith.index_cast %scan3A_108 : i32 to index
          %get3A_249 = arith.constant 112 : index
          %get3A_250 = tpu.vector_load %arg16[%get3A_248, %get3A_249] {strides = array<i32>} : memref<160x128xf32, #tpu.memory_space<vmem>>, vector<1x16xf32>,
          %get3A_251 = vector.shape_cast %get3A_250 : vector<1x16xf32> to vector<16xf32>
          %add3A_252 = arith.addf %get3A_247, %get3A_251 : vector<16xf32>
          %add3A_253 = arith.addf %get3A_243, %add3A_252 : vector<16xf32>
          %swap3A_254 = arith.index_cast %scan3A_108 : i32 to index
          %swap3A_255 = arith.constant 112 : index
          %swap3A_256 = tpu.vector_load %arg14[%swap3A_254, %swap3A_255] {strides = array<i32>} : memref<160x128xf32, #tpu.memory_space<vmem>>, vector<1x16xf32>,
          %swap3A_257 = vector.shape_cast %swap3A_256 : vector<1x16xf32> to vector<16xf32>
          %swap3A_258 = vector.shape_cast %add3A_253 : vector<16xf32> to vector<1x16xf32>
          tpu.vector_store %arg14[%swap3A_254, %swap3A_255], %swap3A_258 {strides = array<i32>} : memref<160x128xf32, #tpu.memory_space<vmem>>, vector<1x16xf32>,
        }
        %scan3A_107 = arith.constant 160 : i32
        "tpu.region"() ({
          %run_scoped3A = tpu.sem_alloc : memref<!tpu.dma_semaphore, #tpu.memory_space<semaphore_mem>>
          %dma_start3A = arith.constant 0 : i32
          %dma_start3A_108 = tpu.memref_slice %arg4[%mul3A_84, %dma_start3A] : memref<100000x128xf32, #tpu.memory_space<hbm>> -> memref<160x128xf32, #tpu.memory_space<hbm>>
          %dma_start3A_109 = arith.constant 0 : i32
          %dma_start3A_110 = tpu.memref_slice %arg4[%mul3A_84, %dma_start3A_109] : memref<100000x128xf32, #tpu.memory_space<hbm>> -> memref<160x128xf32, #tpu.memory_space<hbm>>
          tpu.enqueue_dma source(%arg14 : memref<160x128xf32, #tpu.memory_space<vmem>>) target(%dma_start3A_110 : memref<160x128xf32, #tpu.memory_space<hbm>>) target_semaphore(%run_scoped3A : memref<!tpu.dma_semaphore, #tpu.memory_space<semaphore_mem>>)
          %dma_wait3A_111 = arith.constant 0 : i32
          %dma_wait3A_112 = tpu.memref_slice %arg4[%mul3A_84, %dma_wait3A_111] : memref<100000x128xf32, #tpu.memory_space<hbm>> -> memref<160x128xf32, #tpu.memory_space<hbm>>
          %dma_wait3A_113 = arith.constant 0 : i32
          %dma_wait3A_114 = tpu.memref_slice %arg4[%mul3A_84, %dma_wait3A_113] : memref<100000x128xf32, #tpu.memory_space<hbm>> -> memref<160x128xf32, #tpu.memory_space<hbm>>
          tpu.wait_dma2 semaphore(%run_scoped3A : memref<!tpu.dma_semaphore, #tpu.memory_space<semaphore_mem>>) src(%arg14 : memref<160x128xf32, #tpu.memory_space<vmem>>) dst(%dma_wait3A_114 : memref<160x128xf32, #tpu.memory_space<hbm>>)
          tpu.yield
        }) : () -> ()
      } else {
      }
      %add3A_73 = arith.constant 2 : i32
      %add3A_74 = arith.addi %add3A_28, %add3A_73 : i32
      %mul3A_75 = arith.constant 32 : i32
      %mul3A_76 = arith.muli %add3A_74, %mul3A_75 : i32
      %add3A_77 = arith.addi %add3A, %mul3A_76 : i32
      %lt3A_78 = arith.constant 625 : i32
      %lt3A_79 = arith.cmpi slt, %add3A_77, %lt3A_78 : i32
      %convert_element_type3A_80 = arith.extui %lt3A_79 : i1 to i32
      %cond3A_81 = arith.constant 0 : i32
      %cond3A_82 = arith.cmpi ne, %convert_element_type3A_80, %cond3A_81 : i32
      scf.if %cond3A_82 {
        %mul3A_83 = arith.constant 160 : i32
        %mul3A_84 = arith.muli %add3A_77, %mul3A_83 : i32
        %add3A_85 = arith.constant 0 : i32
        %add3A_86 = arith.addi %add3A_85, %mul3A_84 : i32
        %add3A_87 = arith.constant 0 : i32
        %add3A_88 = arith.addi %add3A_87, %add3A_86 : i32
        %dma_start3A = tpu.memref_slice %arg2[%add3A_88] : memref<800000xi32, #tpu.memory_space<hbm>> -> memref<160xi32, #tpu.memory_space<hbm>>
        %dma_start3A_89 = tpu.memref_slice %arg2[%add3A_88] : memref<800000xi32, #tpu.memory_space<hbm>> -> memref<160xi32, #tpu.memory_space<hbm>>
        tpu.enqueue_dma source(%dma_start3A_89 : memref<160xi32, #tpu.memory_space<hbm>>) target(%arg8 : memref<160xi32, #tpu.memory_space<vmem>>) target_semaphore(%arg18 : memref<!tpu.dma_semaphore, #tpu.memory_space<semaphore_mem>>)
        %add3A_90 = arith.constant 100000 : i32
        %add3A_91 = arith.addi %add3A_90, %add3A_86 : i32
        %dma_start3A_92 = tpu.memref_slice %arg2[%add3A_91] : memref<800000xi32, #tpu.memory_space<hbm>> -> memref<160xi32, #tpu.memory_space<hbm>>
        %dma_start3A_93 = tpu.memref_slice %arg2[%add3A_91] : memref<800000xi32, #tpu.memory_space<hbm>> -> memref<160xi32, #tpu.memory_space<hbm>>
        tpu.enqueue_dma source(%dma_start3A_93 : memref<160xi32, #tpu.memory_space<hbm>>) target(%arg9 : memref<160xi32, #tpu.memory_space<vmem>>) target_semaphore(%arg18 : memref<!tpu.dma_semaphore, #tpu.memory_space<semaphore_mem>>)
        %add3A_94 = arith.constant 200000 : i32
        %add3A_95 = arith.addi %add3A_94, %add3A_86 : i32
        %dma_start3A_96 = tpu.memref_slice %arg2[%add3A_95] : memref<800000xi32, #tpu.memory_space<hbm>> -> memref<160xi32, #tpu.memory_space<hbm>>
        %dma_start3A_97 = tpu.memref_slice %arg2[%add3A_95] : memref<800000xi32, #tpu.memory_space<hbm>> -> memref<160xi32, #tpu.memory_space<hbm>>
        tpu.enqueue_dma source(%dma_start3A_97 : memref<160xi32, #tpu.memory_space<hbm>>) target(%arg10 : memref<160xi32, #tpu.memory_space<vmem>>) target_semaphore(%arg18 : memref<!tpu.dma_semaphore, #tpu.memory_space<semaphore_mem>>)
      } else {
      }
    }
    %scan3A_23 = arith.constant 10 : i32
    return
  }
}

module attributes {stable_mosaic.version = 14 : i64} {
  func.func @_jidx_body(%arg0: i32, %arg1: memref<8192x60xf32, #tpu.memory_space<vmem>>, %arg2: memref<8x16xbf16, #tpu.memory_space<vmem>>, %arg3: memref<8x128xf32, #tpu.memory_space<vmem>>, %arg4: memref<8x8192xi32, #tpu.memory_space<vmem>>) attributes {dimension_semantics = [#tpu.dimension_semantics<parallel>], iteration_bounds = array<i64: 13>, scalar_prefetch = 0 : i64, scratch_operands = 0 : i64, tpu.core_type = #tpu.core_type<tc>, window_params = [{transform_indices = @transform_0, window_bounds = array<i64: 8192, 60>}, {pipeline_mode = #tpu.pipeline_mode<synchronous>, transform_indices = @transform_1, window_bounds = array<i64: 8, 16>}, {pipeline_mode = #tpu.pipeline_mode<synchronous>, transform_indices = @transform_2, window_bounds = array<i64: 8, 128>}, {transform_indices = @transform_3, window_bounds = array<i64: 8, 8192>}]} {
    %get3A = arith.constant 0 : index
    %get3A_0 = arith.constant 0 : index
    %get3A_1 = vector.load %arg1[%get3A, %get3A_0] : memref<8192x60xf32, #tpu.memory_space<vmem>>, vector<8192x16xf32>
    %convert_element_type3A = arith.truncf %get3A_1 : vector<8192x16xf32> to vector<8192x16xbf16>
    %get3A_2 = arith.constant 0 : index
    %get3A_3 = arith.constant 0 : index
    %get3A_4 = vector.load %arg2[%get3A_2, %get3A_3] : memref<8x16xbf16, #tpu.memory_space<vmem>>, vector<8x16xbf16>
    %dot_general3A = arith.constant dense<0.000000e+00> : vector<8x8192xf32>
    %dot_general3A_5 = tpu.matmul %get3A_4, %convert_element_type3A, %dot_general3A {dimension_numbers = #tpu.dot_dimension_numbers<[1], [1], [0], [0], [0, 0, 1, 0], [], []>, transpose_lhs_hint = false} : vector<8x16xbf16>, vector<8192x16xbf16>, vector<8x8192xf32> -> vector<8x8192xf32>
    %get3A_6 = arith.constant 0 : index
    %get3A_7 = arith.constant 0 : index
    %get3A_8 = vector.load %arg3[%get3A_6, %get3A_7] : memref<8x128xf32, #tpu.memory_space<vmem>>, vector<8x1xf32>
    %add3A = vector.broadcast %get3A_8 : vector<8x1xf32> to vector<8x8192xf32>
    %add3A_9 = arith.addf %dot_general3A_5, %add3A : vector<8x8192xf32>
    %convert_element_type3A_10 = arith.fptosi %add3A_9 : vector<8x8192xf32> to vector<8x8192xi32>
    %jit3A = arith.constant 0 : i32
    %jit3A_11 = arith.constant 21801 : i32
    %max3A = vector.broadcast %jit3A : i32 to vector<8x8192xi32>
    %max3A_12 = arith.maxsi %max3A, %convert_element_type3A_10 : vector<8x8192xi32>
    %min3A = vector.broadcast %jit3A_11 : i32 to vector<8x8192xi32>
    %min3A_13 = arith.minsi %min3A, %max3A_12 : vector<8x8192xi32>
    %swap3A = arith.constant 0 : index
    %swap3A_14 = arith.constant 0 : index
    %swap3A_15 = vector.load %arg4[%swap3A, %swap3A_14] : memref<8x8192xi32, #tpu.memory_space<vmem>>, vector<8x8192xi32>
    tpu.vector_store %arg4[%swap3A, %swap3A_14], %min3A_13 {strides = array<i32>} : memref<8x8192xi32, #tpu.memory_space<vmem>>, vector<8x8192xi32>,
    return
  }
  func.func @transform_0(%arg0: i32) -> (i32, i32) {
    %c0_i32 = arith.constant 0 : i32
    %c0_i32_0 = arith.constant 0 : i32
    return %arg0, %c0_i32 : i32, i32
  }
  func.func @transform_1(%arg0: i32) -> (i32, i32) {
    %c0_i32 = arith.constant 0 : i32
    %c0_i32_0 = arith.constant 0 : i32
    %c0_i32_1 = arith.constant 0 : i32
    return %c0_i32, %c0_i32_0 : i32, i32
  }
  func.func @transform_2(%arg0: i32) -> (i32, i32) {
    %c0_i32 = arith.constant 0 : i32
    %c0_i32_0 = arith.constant 0 : i32
    %c0_i32_1 = arith.constant 0 : i32
    return %c0_i32, %c0_i32_0 : i32, i32
  }
  func.func @transform_3(%arg0: i32) -> (i32, i32) {
    %c0_i32 = arith.constant 0 : i32
    %c0_i32_0 = arith.constant 0 : i32
    return %c0_i32, %arg0 : i32, i32
  }
}

module attributes {stable_mosaic.version = 14 : i64} {
  func.func @_prep_body(%arg0: memref<256x128xf32, #tpu.memory_space<vmem>>, %arg1: memref<32x128xf32, #tpu.memory_space<vmem>>, %arg2: memref<144x128xf32, #tpu.memory_space<vmem>>, %arg3: memref<8x128xf32, #tpu.memory_space<vmem>>, %arg4: memref<8x128xf32, #tpu.memory_space<vmem>>, %arg5: memref<21808x256xbf16, #tpu.memory_space<vmem>>, %arg6: memref<21808x128xf32, #tpu.memory_space<vmem>>, %arg7: memref<48x128xbf16, #tpu.memory_space<vmem>>, %arg8: memref<8x128xf32, #tpu.memory_space<vmem>>) attributes {dimension_semantics = [], scalar_prefetch = 0 : i64, scratch_operands = 0 : i64, tpu.core_type = #tpu.core_type<tc>} {
    %get3A = arith.constant 0 : index
    %get3A_0 = arith.constant 0 : index
    %get3A_1 = vector.load %arg2[%get3A, %get3A_0] : memref<144x128xf32, #tpu.memory_space<vmem>>, vector<128x128xf32>
    %get3A_2 = arith.constant 0 : index
    %get3A_3 = arith.constant 0 : index
    %get3A_4 = vector.load %arg0[%get3A_2, %get3A_3] : memref<256x128xf32, #tpu.memory_space<vmem>>, vector<256x128xf32>
    %dot_general3A = arith.constant dense<0.000000e+00> : vector<256x128xf32>
    %dot_general3A_5 = tpu.matmul %get3A_4, %get3A_1, %dot_general3A {dimension_numbers = #tpu.dot_dimension_numbers<[1], [0], [0], [1], [0, 0, 1, 1], [], []>, transpose_lhs_hint = false} : vector<256x128xf32>, vector<128x128xf32>, vector<256x128xf32> -> vector<256x128xf32>
    %get3A_6 = arith.constant 0 : index
    %get3A_7 = arith.constant 0 : index
    %get3A_8 = vector.load %arg5[%get3A_6, %get3A_7] : memref<21808x256xbf16, #tpu.memory_space<vmem>>, vector<21808x256xbf16>
    %convert_element_type3A = arith.truncf %dot_general3A_5 : vector<256x128xf32> to vector<256x128xbf16>
    %dot_general3A_9 = arith.constant dense<0.000000e+00> : vector<21808x128xf32>
    %dot_general3A_10 = tpu.matmul %get3A_8, %convert_element_type3A, %dot_general3A_9 {dimension_numbers = #tpu.dot_dimension_numbers<[1], [0], [0], [1], [0, 0, 1, 1], [], []>, transpose_lhs_hint = false} : vector<21808x256xbf16>, vector<256x128xbf16>, vector<21808x128xf32> -> vector<21808x128xf32>
    %swap3A = arith.constant 0 : index
    %swap3A_11 = arith.constant 0 : index
    %swap3A_12 = vector.load %arg6[%swap3A, %swap3A_11] : memref<21808x128xf32, #tpu.memory_space<vmem>>, vector<21808x128xf32>
    tpu.vector_store %arg6[%swap3A, %swap3A_11], %dot_general3A_10 {strides = array<i32>} : memref<21808x128xf32, #tpu.memory_space<vmem>>, vector<21808x128xf32>,
    %get3A_13 = arith.constant 0 : index
    %get3A_14 = arith.constant 0 : index
    %get3A_15 = vector.load %arg1[%get3A_13, %get3A_14] : memref<32x128xf32, #tpu.memory_space<vmem>>, vector<32x128xf32>
    %dot_general3A_16 = arith.constant dense<0.000000e+00> : vector<32x128xf32>
    %dot_general3A_17 = tpu.matmul %get3A_15, %get3A_1, %dot_general3A_16 {dimension_numbers = #tpu.dot_dimension_numbers<[1], [0], [0], [1], [0, 0, 1, 1], [], []>, transpose_lhs_hint = false} : vector<32x128xf32>, vector<128x128xf32>, vector<32x128xf32> -> vector<32x128xf32>
    %convert_element_type3A_18 = arith.truncf %dot_general3A_17 : vector<32x128xf32> to vector<32x128xbf16>
    %swap3A_19 = arith.constant 0 : index
    %swap3A_20 = arith.constant 0 : index
    %swap3A_21 = vector.load %arg7[%swap3A_19, %swap3A_20] : memref<48x128xbf16, #tpu.memory_space<vmem>>, vector<32x128xbf16>
    tpu.vector_store %arg7[%swap3A_19, %swap3A_20], %convert_element_type3A_18 {strides = array<i32>} : memref<48x128xbf16, #tpu.memory_space<vmem>>, vector<32x128xbf16>,
    %get3A_22 = arith.constant 128 : index
    %get3A_23 = arith.constant 0 : index
    %get3A_24 = vector.load %arg2[%get3A_22, %get3A_23] : memref<144x128xf32, #tpu.memory_space<vmem>>, vector<16x128xf32>
    %convert_element_type3A_25 = arith.truncf %get3A_24 : vector<16x128xf32> to vector<16x128xbf16>
    %swap3A_26 = arith.constant 32 : index
    %swap3A_27 = arith.constant 0 : index
    %swap3A_28 = vector.load %arg7[%swap3A_26, %swap3A_27] : memref<48x128xbf16, #tpu.memory_space<vmem>>, vector<16x128xbf16>
    tpu.vector_store %arg7[%swap3A_26, %swap3A_27], %convert_element_type3A_25 {strides = array<i32>} : memref<48x128xbf16, #tpu.memory_space<vmem>>, vector<16x128xbf16>,
    %get3A_29 = arith.constant 0 : index
    %get3A_30 = arith.constant 0 : index
    %get3A_31 = vector.load %arg3[%get3A_29, %get3A_30] : memref<8x128xf32, #tpu.memory_space<vmem>>, vector<8x128xf32>
    %dot_general3A_32 = arith.constant dense<0.000000e+00> : vector<8x128xf32>
    %dot_general3A_33 = tpu.matmul %get3A_31, %get3A_1, %dot_general3A_32 {dimension_numbers = #tpu.dot_dimension_numbers<[1], [0], [0], [1], [0, 0, 1, 1], [], []>, transpose_lhs_hint = false} : vector<8x128xf32>, vector<128x128xf32>, vector<8x128xf32> -> vector<8x128xf32>
    %get3A_34 = arith.constant 0 : index
    %get3A_35 = arith.constant 0 : index
    %get3A_36 = vector.load %arg4[%get3A_34, %get3A_35] : memref<8x128xf32, #tpu.memory_space<vmem>>, vector<8x128xf32>
    %add3A = arith.addf %dot_general3A_33, %get3A_36 : vector<8x128xf32>
    %swap3A_37 = arith.constant 0 : index
    %swap3A_38 = arith.constant 0 : index
    %swap3A_39 = vector.load %arg8[%swap3A_37, %swap3A_38] : memref<8x128xf32, #tpu.memory_space<vmem>>, vector<8x128xf32>
    tpu.vector_store %arg8[%swap3A_37, %swap3A_38], %add3A {strides = array<i32>} : memref<8x128xf32, #tpu.memory_space<vmem>>, vector<8x128xf32>,
    return
  }
}

module attributes {stable_mosaic.version = 14 : i64} {
  func.func @_final_body(%arg0: i32, %arg1: memref<8192x60xf32, #tpu.memory_space<vmem>>, %arg2: memref<8192x128xf32, #tpu.memory_space<vmem>>, %arg3: memref<48x128xbf16, #tpu.memory_space<vmem>>, %arg4: memref<8x128xf32, #tpu.memory_space<vmem>>, %arg5: memref<8192x128xf32, #tpu.memory_space<vmem>>) attributes {dimension_semantics = [#tpu.dimension_semantics<parallel>], iteration_bounds = array<i64: 13>, scalar_prefetch = 0 : i64, scratch_operands = 0 : i64, tpu.core_type = #tpu.core_type<tc>, window_params = [{transform_indices = @transform_0, window_bounds = array<i64: 8192, 60>}, {transform_indices = @transform_1, window_bounds = array<i64: 8192, 128>}, {pipeline_mode = #tpu.pipeline_mode<synchronous>, transform_indices = @transform_2, window_bounds = array<i64: 48, 128>}, {pipeline_mode = #tpu.pipeline_mode<synchronous>, transform_indices = @transform_3, window_bounds = array<i64: 8, 128>}, {transform_indices = @transform_4, window_bounds = array<i64: 8192, 128>}]} {
    %get3A = arith.constant 0 : index
    %get3A_0 = arith.constant 0 : index
    %get3A_1 = vector.load %arg1[%get3A, %get3A_0] : memref<8192x60xf32, #tpu.memory_space<vmem>>, vector<8192x60xf32>
    %convert_element_type3A = arith.truncf %get3A_1 : vector<8192x60xf32> to vector<8192x60xbf16>
    %slice3A = vector.extract_strided_slice %convert_element_type3A {offsets = [0, 12], sizes = [8192, 48], strides = [1, 1]} : vector<8192x60xbf16> to vector<8192x48xbf16>
    %get3A_2 = arith.constant 0 : index
    %get3A_3 = arith.constant 0 : index
    %get3A_4 = vector.load %arg3[%get3A_2, %get3A_3] : memref<48x128xbf16, #tpu.memory_space<vmem>>, vector<48x128xbf16>
    %dot_general3A = arith.constant dense<0.000000e+00> : vector<8192x128xf32>
    %dot_general3A_5 = tpu.matmul %slice3A, %get3A_4, %dot_general3A {dimension_numbers = #tpu.dot_dimension_numbers<[1], [0], [0], [1], [0, 0, 1, 1], [], []>, transpose_lhs_hint = false} : vector<8192x48xbf16>, vector<48x128xbf16>, vector<8192x128xf32> -> vector<8192x128xf32>
    %get3A_6 = arith.constant 0 : index
    %get3A_7 = arith.constant 0 : index
    %get3A_8 = vector.load %arg2[%get3A_6, %get3A_7] : memref<8192x128xf32, #tpu.memory_space<vmem>>, vector<8192x128xf32>
    %add3A = arith.addf %dot_general3A_5, %get3A_8 : vector<8192x128xf32>
    %get3A_9 = arith.constant 0 : index
    %get3A_10 = arith.constant 0 : index
    %get3A_11 = vector.load %arg4[%get3A_9, %get3A_10] : memref<8x128xf32, #tpu.memory_space<vmem>>, vector<1x128xf32>
    %add3A_12 = vector.broadcast %get3A_11 : vector<1x128xf32> to vector<8192x128xf32>
    %add3A_13 = arith.addf %add3A, %add3A_12 : vector<8192x128xf32>
    %swap3A = arith.constant 0 : index
    %swap3A_14 = arith.constant 0 : index
    %swap3A_15 = vector.load %arg5[%swap3A, %swap3A_14] : memref<8192x128xf32, #tpu.memory_space<vmem>>, vector<8192x128xf32>
    tpu.vector_store %arg5[%swap3A, %swap3A_14], %add3A_13 {strides = array<i32>} : memref<8192x128xf32, #tpu.memory_space<vmem>>, vector<8192x128xf32>,
    return
  }
  func.func @transform_0(%arg0: i32) -> (i32, i32) {
    %c0_i32 = arith.constant 0 : i32
    %c0_i32_0 = arith.constant 0 : i32
    return %arg0, %c0_i32 : i32, i32
  }
  func.func @transform_1(%arg0: i32) -> (i32, i32) {
    %c0_i32 = arith.constant 0 : i32
    %c0_i32_0 = arith.constant 0 : i32
    return %arg0, %c0_i32 : i32, i32
  }
  func.func @transform_2(%arg0: i32) -> (i32, i32) {
    %c0_i32 = arith.constant 0 : i32
    %c0_i32_0 = arith.constant 0 : i32
    %c0_i32_1 = arith.constant 0 : i32
    return %c0_i32, %c0_i32_0 : i32, i32
  }
  func.func @transform_3(%arg0: i32) -> (i32, i32) {
    %c0_i32 = arith.constant 0 : i32
    %c0_i32_0 = arith.constant 0 : i32
    %c0_i32_1 = arith.constant 0 : i32
    return %c0_i32, %c0_i32_0 : i32, i32
  }
  func.func @transform_4(%arg0: i32) -> (i32, i32) {
    %c0_i32 = arith.constant 0 : i32
    %c0_i32_0 = arith.constant 0 : i32
    return %arg0, %c0_i32 : i32, i32
  }
}

</mosaic_0001>

<sc_bundles>
// kernel: kernel.6.cloned.1.call-start
scs
__scs_entry_jumppad:
0x0: {  	(pc) =	sbr.rel $0x88, $3  }
0x1: {  	(tag) =	ssettag $0x0;
	lr =	simm.s32 $0x1  }
0x2: {  	[smem:$0x3F90] =	sst lr;
	_ =	strace $0xD0000000  }
0x3: {  	_ = 	snop  }
0x4: {  	_ = 	snop  }
0x5: {  	_ = 	snop  }
0x6: {  	_ = 	snop  }
0x7: {  	_ = 	snop  }
__scs_overlays_trampoline_lowered:
0x8: {  	[smem:$0x3F9F] =	sst s0  }
0x9: {  	[smem:$0x3FA0] =	sst s1  }
0xa: {  	[smem:$0x3FA1] =	sst s2  }
0xb: {  	[smem:$0x3FA2] =	sst s3  }
0xc: {  	[smem:$0x3FA3] =	sst s4  }
0xd: {  	[smem:$0x3FA4] =	sst s5  }
0xe: {  	[smem:$0x3FA5] =	sst s6  }
0xf: {  	[smem:$0x3FA6] =	sst s7  }
0x10: {  	[smem:$0x3FA7] =	sst s8  }
0x11: {  	[smem:$0x3FA8] =	sst s9;
	s0 =	simm.s32 @!p0 $0x0  }
0x12: {  	s1 =	sld [smem:$0x3F8E];
	s0 =	simm.s32 @p0 $0x1  }
0x13: {  	[smem:$0x3FA9] =	sst s0;
	s0 =	simm.s32 @!p1 $0x0  }
0x14: {  	s2 =	sld [smem:$0x3F8D];
	s0 =	simm.s32 @p1 $0x1  }
0x15: {  	[smem:$0x3FAA] =	sst s0;
	s0 =	simm.s32 @!p2 $0x0  }
0x16: {  	s3 =	sld [smem:$0x3FDB];
	s0 =	simm.s32 @p2 $0x1  }
0x17: {  	s4 =	simm.s32 $0x1BF5;
	[smem:$0x3FAC] =	sst s0  }
0x18: {  	s0 =	sld [smem:$0x3F8F];
	_ =	swait.ge [sflag:s4], $0x0  }
0x19: {  	s7 =	sld [smem:$0x3F90]  }
0x1a: {  	s8 =	sadd.s32 $0xFFFFE003, lr  }
0x1b: {  	s9 =	sadd.s32 $0xFFFFFEF7, lr;
	s5 =	simm.s32 $0xFFFFFFFF;
	p2 =	slt.u32 s8, $0xFFFFF086  }
0x1c: {  	p1 =	slt.u32 s9, $0xF7A;
	s5 =	simm.s32 @!p2 $0x0  }
0x1d: {  	s5 =	simm.s32 @p1 $0x1;
	p0 =	seq.s32 s7, s2  }
0x1e: {  	s7 =	smul.u32 @!p0 $0xF7A, s2;
	p2 =	seq.s32 @!p0 s5, $0x0  }
0x1f: {  	s9 =	smul.u32 $0xF7A, s1;
	s8 =	simm.s32 @!p0 $0x1BF5;
	p2 =	por !p2, p0  }
0x20: {  	[sflag:s8] =	ssyncset.s32 @!p0 $0xFFFFF086;
	s6 =	sadd.s32 @!p0 s3, s7;
	s7 =	simm.s32 @!p0 $0x108  }
0x21: {  	s3 =	sadd.s32 s3, s9;
	s6 =	sadd.s32 @!p0 $0x88, s6;
	s7 =	simm.s32 @p2 $0x1082  }
0x22: {  	[simem:s7], [sflag:s8] =	dma.local @!p0 [hbm:s6], $0xF7A  }
0x23: {  	s9 =	sor.u32 $0xD0000000, s2;
	s6 =	simm.s32 $0x108;
	_ =	swait.ge @!p0 [sflag:s8], $0x0  }
0x24: {  	s3 =	sadd.s32 $0x88, s3;
	s6 =	simm.s32 @!p1 $0x1082;
	[sflag:s4] =	ssyncset.s32 $0xFFFFF086  }
0x25: {  	[simem:s6], [sflag:s4] =	dma.local [hbm:s3], $0xF7A  }
0x26: {  	[smem:$0x3F90] =	sst s1;
	(tag) =	ssettag s2;
	_ =	strace s9  }
0x27: {  	s1 =	sld [smem:$0x3FA0]  }
0x28: {  	s2 =	sld [smem:$0x3FA1]  }
0x29: {  	s4 =	sld [smem:$0x3FA3]  }
0x2a: {  	p0 =	seq.s32 s5, $0x0;
	s5 =	sld [smem:$0x3FA4]  }
0x2b: {  	s6 =	sld [smem:$0x3FA5]  }
0x2c: {  	s7 =	sld [smem:$0x3FA6]  }
0x2d: {  	s3 =	simm.s32 $0x108;
	s8 =	sld [smem:$0x3FA7]  }
0x2e: {  	s3 =	simm.s32 @!p0 $0x1082;
	s9 =	sld [smem:$0x3FA8]  }
0x2f: {  	lr =	sadd.s32 s0, s3;
	s0 =	sld [smem:$0x3F9F]  }
0x30: {  	s3 =	sld [smem:$0x3FA2]  }
0x31: {  	[smem:$0x3FAB] =	sst s10  }
0x32: {  	s10 =	sld [smem:$0x3FA9];
	_ =	sdelay $0x3  }
0x33: {  	p0 =	seq.s32 s10, $0x1;
	s10 =	sld [smem:$0x3FAB];
	_ =	sdelay $0x3  }
0x34: {  	[smem:$0x3FAB] =	sst s10  }
0x35: {  	s10 =	sld [smem:$0x3FAA];
	_ =	sdelay $0x3  }
0x36: {  	p1 =	seq.s32 s10, $0x1;
	s10 =	sld [smem:$0x3FAB];
	_ =	sdelay $0x3  }
0x37: {  	[smem:$0x3FAB] =	sst s10  }
0x38: {  	s10 =	sld [smem:$0x3FAC]  }
0x39: {  	_ = 	snop;
	(pc) =	sbr.ind lr, $3  }
0x3a: {  	_ = 	snop  }
0x3b: {  	_ = 	snop  }
0x3c: {  	p2 =	seq.s32 s10, $0x1;
	s10 =	sld [smem:$0x3FAB]  }
0x3d: {  	_ =	shalt  }
0x3e: {  	_ =	shalt  }
0x3f: {  	_ =	shalt  }
0x40: {  	_ =	shalt  }
0x41: {  	_ =	shalt  }
0x42: {  	_ =	shalt  }
0x43: {  	_ =	shalt  }
0x44: {  	_ =	shalt  }
0x45: {  	_ =	shalt  }
0x46: {  	_ =	shalt  }
0x47: {  	_ =	shalt  }
0x48: {  	_ =	shalt  }
0x49: {  	_ =	shalt  }
0x4a: {  	_ =	shalt  }
0x4b: {  	_ =	shalt  }
0x4c: {  	_ =	shalt  }
0x4d: {  	_ =	shalt  }
0x4e: {  	_ =	shalt  }
0x4f: {  	_ =	shalt  }
0x50: {  	_ =	shalt  }
0x51: {  	_ =	shalt  }
0x52: {  	_ =	shalt  }
0x53: {  	_ =	shalt  }
0x54: {  	_ =	shalt  }
0x55: {  	_ =	shalt  }
0x56: {  	_ =	shalt  }
0x57: {  	_ =	shalt  }
0x58: {  	_ =	shalt  }
0x59: {  	_ =	shalt  }
0x5a: {  	_ =	shalt  }
0x5b: {  	_ =	shalt  }
0x5c: {  	_ =	shalt  }
0x5d: {  	_ =	shalt  }
0x5e: {  	_ =	shalt  }
0x5f: {  	_ =	shalt  }
0x60: {  	_ =	shalt  }
0x61: {  	_ =	shalt  }
0x62: {  	_ =	shalt  }
0x63: {  	_ =	shalt  }
0x64: {  	_ =	shalt  }
0x65: {  	_ =	shalt  }
0x66: {  	_ =	shalt  }
0x67: {  	_ =	shalt  }
0x68: {  	_ =	shalt  }
0x69: {  	_ =	shalt  }
0x6a: {  	_ =	shalt  }
0x6b: {  	_ =	shalt  }
0x6c: {  	_ =	shalt  }
0x6d: {  	_ =	shalt  }
0x6e: {  	_ =	shalt  }
0x6f: {  	_ =	shalt  }
0x70: {  	_ =	shalt  }
0x71: {  	_ =	shalt  }
0x72: {  	_ =	shalt  }
0x73: {  	_ =	shalt  }
0x74: {  	_ =	shalt  }
0x75: {  	_ =	shalt  }
0x76: {  	_ =	shalt  }
0x77: {  	_ =	shalt  }
0x78: {  	_ =	shalt  }
0x79: {  	_ =	shalt  }
0x7a: {  	_ =	shalt  }
0x7b: {  	_ =	shalt  }
0x7c: {  	_ =	shalt  }
0x7d: {  	_ =	shalt  }
0x7e: {  	_ =	shalt  }
0x7f: {  	_ =	shalt  }
0x80: {  	_ =	shalt  }
0x81: {  	_ =	shalt  }
0x82: {  	_ =	shalt  }
0x83: {  	_ =	shalt  }
0x84: {  	_ =	shalt  }
0x85: {  	_ =	shalt  }
0x86: {  	_ =	shalt  }
0x87: {  	_ =	shalt  }
.Lfunc_end0:
.L_simem_size_0:
called_computation_lowered:
.L_overlay_start_0:
0x88: {  	s2 =	sld [smem:$0x3FD9]  }
0x89: {  	s3 =	sld [smem:$0x3FFE];
	_ =	sdelay $0x1  }
0x8a: {  	s1 =	srdreg.scid  }
0x8b: {  	s0 =	sand.u32 $0x1, s1  }
0x8c: {  	s17 =	sshll.u32 s0, $0xA;
	s2 =	sadd.s32 s3, s2  }
0x8d: {  	s2 =	sadd.s32 s2, s17  }
0x8e: {  	[smem:$0x3FB7] =	sst s2  }
0x8f: {  	_ = 	snop  }
0x90: {  	s2 =	sld [smem:$0x3FD0];
	(tm) =	ssettm $0x1  }
0x91: {  	s18 =	sld [smem:$0x3FFB];
	_ =	sdelay $0x3  }
0x92: {  	_ =	strace s18  }
0x93: {  	s3 =	sld [smem:$0x3FFC];
	_ =	sdelay $0x3  }
0x94: {  	_ =	strace s3  }
0x95: {  	s3 =	sld [smem:$0x3FFD];
	_ =	sdelay $0x3  }
0x96: {  	_ =	strace s3  }
0x97: {  	_ =	strace $0x8FFFFFFF  }
0x98: {  	s19 =	sld [smem:$0x3FDB];
	_ =	sdelay $0x1  }
0x99: {  	s4 =	simm.s32 $_scs_section_size  }
0x9a: {  	s5 =	simm.s32 $_size__tile_overlayer_lowered;
	s6 =	simm.s32 $_tile_overlayer_lowered  }
0x9b: {  	s22 =	simm.s32 $0x1BFF;
	s21 =	sshll.u32 s6, $0x1;
	s3 =	sadd.s32 s4, s19  }
0x9c: {  	s7 =	simm.s32 $0x0;
	s20 =	sshll.u32 s5, $0x1;
	s5 =	sadd.s32 s21, s3  }
0x9d: {  	[timem:s7], [sflag:s22] =	dma.local [hbm:s5], s20  }
0x9e: {  	_ =	swait.ge [sflag:s22], s20  }
0x9f: {  	s4 =	ssub.s32 $0x0, s20;
	[sflag:s22] =	ssyncset.done $0x0  }
0xa0: {  	[sflag:s22] =	ssyncadd.s32 s4;
	_ =	sdelay $0x1  }
0xa1: {  	s23 =	simm.s32 $0x1B8B  }
0xa2: {  	_ =	swait.ge [sflag:s23], $0x1  }
0xa3: {  	[sflag:s23] =	ssyncset.done $0x0  }
0xa4: {  	s25 =	simm.s32 $0x1B8E;
	s24 =	sld [smem:$0x3FFE];
	[sflag:s23] =	ssyncadd.s32 $0xFFFFFFFF  }
0xa5: {  	s26 =	simm.s32 $execute0_lowered;
	[smem:$0x3FD2] =	sst s25  }
0xa6: {  	s5 =	sshll.u32 s26, $0x1;
	_ =	strace $0x80000046;
	[dreg:$0x1] =	wrdreg $0xFFFFFFFF  }
0xa7: {  	s28 =	simm.s32 $_size_execute0_lowered;
	s3 =	sadd.s32 s3, s5;
	[dreg:$0x0] =	wrdreg $0x0  }
0xa8: {  	s5 =	sshll.u32 s28, $0x1;
	[dreg:$0x2] =	wrdreg s3  }
0xa9: {  	[dreg:$0x3] =	wrdreg s5  }
0xaa: {  	[dreg:$0x4] =	wrdreg $0xC0  }
0xab: {  	_ =	task [dreg:s7], $0x5FFFF  }
0xac: {  	[dreg:$0x1] =	wrdreg $0xFFFFFFFF  }
0xad: {  	[dreg:$0x0] =	wrdreg $0x60  }
0xae: {  	[dreg:$0x2] =	wrdreg s24  }
0xaf: {  	[dreg:$0x3] =	wrdreg s2  }
0xb0: {  	[dreg:$0x4] =	wrdreg $0x9  }
0xb1: {  	_ =	task.clear_ibuf [dreg:s7], $0x5FFFF;
	_ =	strace $0x90000046  }
0xb2: {  	s29 =	simm.s32 $0x9;
	_ =	strace $0x80000048  }
0xb3: {  	_ =	swait.ge [sflag:s29], $0x1  }
0xb4: {  	[sflag:s29] =	ssyncadd.s32 $0xFFFFFFFF  }
0xb5: {  	_ =	strace $0x90000048  }
0xb6: {  	_ =	sfence  }
0xb7: {  	s30 =	sld [smem:$0x0];
	_ =	sdelay $0x2  }
0xb8: {  	s31 =	sshll.u32 s1, $0xD;
	s1 =	sshrl.u32 s1, $0x2  }
0xb9: {  	s3 =	sand.u32 $0x4000, s31;
	s1 =	sadd.s32 s1, s30  }
0xba: {  	s0 =	sor.u32 s3, s0;
	s1 =	sshll.u32 s1, $0x11  }
0xbb: {  	s0 =	sor.u32 s1, s0  }
0xbc: {  	s0 =	sadd.s32 $0x8F2B, s0  }
0xbd: {  	[sflag:s0] =	ssyncadd.remote.s32 $0x1  }
0xbe: {  	_ =	sfence.sel $0xFFFF  }
0xbf: {  	[dreg:$0x0] =	wrdreg $0xFFFFFFFF;
	(pc) =	sbr.abs _section_cstart, $3  }
0xc0: {  	[dreg:$0x1] =	wrdreg $0xFFFFFFFF  }
0xc1: {  	_ =	task.clear_ibuf [dreg:s7], $0x2FFFF;
	_ =	strace $0x9FFFFFFF  }
0xc2: {  	(tm) =	ssettm $0x7FFFFFFF  }
0xc3: {  	_ =	shalt  }
tec
execute0_lowered:
.L_overlay_start_1:
0x0: {  	(tag) =	ssettag $0x1  }
0x1: {  	s0 =	rddreg [dreg:$0x0];
	s1 =	srdreg.scid  }
0x2: {  	s3 =	stileid.u32;
	s2 =	rddreg [dreg:$0x1];
	s16 =	simm.s32 $0x100  }
0x3: {  	s17 =	simm.s32 $0x200;
	s21 =	simm.s32 $0x1;
	s22 =	simm.s32 $0xA0  }
0x4: {  	s23 =	simm.s32 $0x600;
	s28 =	simm.s32 $0x5;
	s29 =	simm.s32 $0x4  }
0x5: {  	s30 =	simm.s32 $0xF600;
	s1 =	sand.u32 $0x1, s1;
	s4 =	sshll.u32 s3, $0x1  }
0x6: {  	s31 =	simm.s32 $0x0;
	s3 =	simm.s32 $0x0;
	s4 =	sor.u32 s1, s4  }
0x7: {  	[smem:$0x7FF] =	sst s3;
	s1 =	ssub.s32 $0x2, s1;
	s6 =	smul.u32 $0xA0, s4  }
0x8: {  	s5 =	sadd.s32 $0x189600, s0;
	_ =	strace $0x80000047;
	s25 =	sshrl.u32 s1, $0x1  }
.Ltmp0:
0x9: {  	s13 =	sor.u32 $0x40, s4;
	s7 =	sshrl.u32 s6, $0x3;
	(pc) =	sbr.rel .LBB2_1-.Ltmp0, $4  }
0xa: {  	s6 =	sadd.s32 $0x1A1E00, s0;
	s0 =	ssub.s32 s1, s25;
	s7 =	sadd.s32 s5, s7  }
0xb: {  	s14 =	sor.u32 $0x60, s4;
	s15 =	smax.u32 s0, $0x1;
	s26 =	sadd.s32 $0x30D4, s7  }
0xc: {  	s9 =	sadd.s32 $0x61A8, s7;
	s10 =	sadd.s32 $0x280, s7;
	s11 =	sadd.s32 $0x3354, s7  }
0xd: {  	s12 =	sadd.s32 $0x6428, s7;
	[dreg:$0x3] =	wrdreg s26;
	s26 =	simm.s32 $0x3  }
.LBB2_9:
0xe: {  	s31 =	sadd.s32 $0x1, s31  }
0xf: {  	p0 =	sne.s32 s31, s15  }
.Ltmp1:
0x10: {  	_ = 	snop;
	(pc) =	sbr.rel @!p0 .LBB2_10-.Ltmp1, $1  }
0x11: {  	_ =	sdelay $0x3  }
.LBB2_1:
0x12: {  	[tilespmem:s3], [sflag:$0x1] =	stream.linear.gather [hbm4b:s7+s3], $0xA0, $0x38;
	[tilespmem:$0x1E600] =	vst v63  }
0x13: {  	s0 =	rddreg [dreg:$0x3]  }
0x14: {  	[tilespmem:s16], [sflag:$0x1] =	stream.linear.gather [hbm4b:s0+s3], $0xA0, $0x38;
	[tilespmem:$0x1E600] =	vst v63  }
0x15: {  	_ = 	snop  }
0x16: {  	[tilespmem:s17], [sflag:$0x1] =	stream.linear.gather [hbm4b:s9+s3], $0xA0, $0x38;
	[tilespmem:$0x1E600] =	vst v63  }
0x17: {  	s18 =	simm.s32 $0x300  }
0x18: {  	[tilespmem:s18], [sflag:$0x2] =	stream.linear.gather [hbm4b:s10+s3], $0xA0, $0x38;
	[tilespmem:$0x1E600] =	vst v63  }
0x19: {  	s19 =	simm.s32 $0x400  }
0x1a: {  	[tilespmem:s19], [sflag:$0x2] =	stream.linear.gather [hbm4b:s11+s3], $0xA0, $0x38;
	[tilespmem:$0x1E600] =	vst v63  }
0x1b: {  	s20 =	simm.s32 $0x500  }
0x1c: {  	[tilespmem:s20], [sflag:$0x2] =	stream.linear.gather [hbm4b:s12+s3], $0xA0, $0x38;
	[tilespmem:$0x1E600] =	vst v63  }
0x1d: {  	_ =	swait.ge [sflag:s21], $0xA0  }
0x1e: {  	[sflag:s21] =	ssyncset.done $0x0  }
0x1f: {  	[sflag:s21] =	ssyncadd.s32 $0xFFFFFF60  }
0x20: {  	_ =	swait.ge [sflag:s21], $0xA0  }
0x21: {  	[sflag:s21] =	ssyncset.done $0x0  }
0x22: {  	[sflag:s21] =	ssyncadd.s32 $0xFFFFFF60  }
0x23: {  	_ =	swait.ge [sflag:s21], $0xA0  }
0x24: {  	[sflag:s21] =	ssyncset.done $0x0  }
0x25: {  	[sflag:s21] =	ssyncadd.s32 $0xFFFFFF60  }
0x26: {  	[tilespmem:s23], [sflag:$0x3] =	stream.indirect.gather [hbm4b:s2+s22], $0x80, s3, s22, $0xb8;
	[tilespmem:$0x1E600] =	vst v63  }
.Ltmp2:
0x27: {  	_ = 	snop;
	(pc) =	sbr.rel .LBB2_2-.Ltmp2, $4  }
0x28: {  	s24 =	simm.s32 $0x5600  }
0x29: {  	[tilespmem:s24], [sflag:$0x3] =	stream.indirect.gather [hbm4b:s2+s22], $0x80, s16, s22, $0xb8;
	[tilespmem:$0x1E600] =	vst v63  }
0x2a: {  	s25 =	simm.s32 $0xA600;
	s1 =	simm.s32 $0x0  }
0x2b: {  	[tilespmem:s25], [sflag:$0x3] =	stream.indirect.gather [hbm4b:s2+s22], $0x80, s17, s22, $0xb8;
	[tilespmem:$0x1E600] =	vst v63  }
.LBB2_8:
0x2c: {  	s0 =	sadd.s32 s14, s0  }
0x2d: {  	p0 =	sgt.u32 s0, $0x270  }
0x2e: {  	s0 =	smul.u32 @!p0 $0xA0, s0;
	_ =	sdelay $0x1  }
0x2f: {  	s0 =	sshrl.u32 @!p0 s0, $0x3  }
0x30: {  	s8 =	simm.s32 @!p0 $0x0;
	s18 =	simm.s32 @!p0 $0x300;
	s0 =	sadd.s32 @!p0 s5, s0  }
0x31: {  	[tilespmem:s18], [sflag:$0x2] =	stream.linear.gather @!p0 [hbm4b:s0+s8], $0xA0, $0x38;
	[tilespmem:$0x1E600] =	vst v63  }
0x32: {  	s19 =	simm.s32 @!p0 $0x400;
	s18 =	sadd.s32 @!p0 $0x30D4, s0  }
0x33: {  	[tilespmem:s19], [sflag:$0x2] =	stream.linear.gather @!p0 [hbm4b:s18+s8], $0xA0, $0x38;
	[tilespmem:$0x1E600] =	vst v63  }
0x34: {  	s1 =	sadd.s32 $0x1, s1;
	s0 =	sadd.s32 @!p0 $0x61A8, s0;
	s18 =	simm.s32 @!p0 $0x500  }
0x35: {  	[tilespmem:s18], [sflag:$0x2] =	stream.linear.gather @!p0 [hbm4b:s0+s8], $0xA0, $0x38;
	[tilespmem:$0x1E600] =	vst v63  }
0x36: {  	p0 =	sne.s32 s1, $0xA  }
.Ltmp3:
0x37: {  	_ = 	snop;
	(pc) =	sbr.rel @!p0 .LBB2_9-.Ltmp3, $1  }
0x38: {  	_ =	sdelay $0x3  }
.LBB2_2:
0x39: {  	s0 =	sshll.u32 s1, $0x6  }
0x3a: {  	s19 =	sor.u32 s0, s4  }
0x3b: {  	s18 =	sor.u32 $0x20, s19  }
0x3c: {  	p0 =	sgt.u32 s18, $0x270  }
0x3d: {  	s20 =	simm.s32 @!p0 $0x2  }
0x3e: {  	_ =	swait.ge @!p0 [sflag:s20], $0xA0  }
0x3f: {  	[sflag:s20] =	ssyncset.done @!p0 $0x0  }
0x40: {  	[sflag:s20] =	ssyncadd.s32 @!p0 $0xFFFFFF60  }
0x41: {  	_ =	swait.ge @!p0 [sflag:s20], $0xA0  }
0x42: {  	[sflag:s20] =	ssyncset.done @!p0 $0x0  }
0x43: {  	[sflag:s20] =	ssyncadd.s32 @!p0 $0xFFFFFF60  }
0x44: {  	_ =	swait.ge @!p0 [sflag:s20], $0xA0  }
0x45: {  	s24 =	simm.s32 @!p0 $0x300;
	[sflag:s20] =	ssyncset.done @!p0 $0x0  }
0x46: {  	s25 =	simm.s32 @!p0 $0xF600;
	[sflag:s20] =	ssyncadd.s32 @!p0 $0xFFFFFF60;
	s20 =	simm.s32 @!p0 $0xA0  }
0x47: {  	[tilespmem:s25], [sflag:$0x4] =	stream.indirect.gather @!p0 [hbm4b:s2+s20], $0x80, s24, s20, $0xb8;
	[tilespmem:$0x1E600] =	vst v63  }
0x48: {  	s24 =	simm.s32 @!p0 $0x400;
	s25 =	simm.s32 @!p0 $0x14600  }
0x49: {  	[tilespmem:s25], [sflag:$0x4] =	stream.indirect.gather @!p0 [hbm4b:s2+s20], $0x80, s24, s20, $0xb8;
	[tilespmem:$0x1E600] =	vst v63  }
0x4a: {  	s24 =	simm.s32 @!p0 $0x500;
	s25 =	simm.s32 @!p0 $0x19600  }
0x4b: {  	[tilespmem:s25], [sflag:$0x4] =	stream.indirect.gather @!p0 [hbm4b:s2+s20], $0x80, s24, s20, $0xb8;
	[tilespmem:$0x1E600] =	vst v63  }
0x4c: {  	_ =	swait.ge [sflag:s26], $0x5000  }
0x4d: {  	[sflag:s26] =	ssyncset.done $0x0  }
0x4e: {  	[sflag:s26] =	ssyncadd.s32 $0xFFFFB000  }
0x4f: {  	_ =	swait.ge [sflag:s26], $0x5000  }
0x50: {  	[sflag:s26] =	ssyncset.done $0x0  }
0x51: {  	[sflag:s26] =	ssyncadd.s32 $0xFFFFB000  }
0x52: {  	_ =	swait.ge [sflag:s26], $0x5000  }
0x53: {  	[sflag:s26] =	ssyncset.done $0x0  }
0x54: {  	s20 =	simm.s32 $0x0;
	[sflag:s26] =	ssyncadd.s32 $0xFFFFB000  }
0x55: {  	v12 =	vld [tilespmem:s20+$0x5600]  }
0x56: {  	v17 =	vld [tilespmem:s20+$0xA600]  }
0x57: {  	v19 =	vld [tilespmem:s20+$0x5610]  }
0x58: {  	v20 =	vld [tilespmem:s20+$0xA610]  }
0x59: {  	v5 =	vld [tilespmem:s20+$0x5620]  }
0x5a: {  	v10 =	vld [tilespmem:s20+$0xA620]  }
0x5b: {  	v8 =	vld [tilespmem:s20+$0x5630]  }
0x5c: {  	v11 =	vld [tilespmem:s20+$0xA630]  }
0x5d: {  	v7 =	vld [tilespmem:s20+$0x5640]  }
0x5e: {  	v9 =	vld [tilespmem:s20+$0xA640]  }
0x5f: {  	v3 =	vld [tilespmem:s20+$0x5650]  }
0x60: {  	v6 =	vld [tilespmem:s20+$0xA650]  }
0x61: {  	v1 =	vld [tilespmem:s20+$0x5660]  }
0x62: {  	v4 =	vld [tilespmem:s20+$0xA660]  }
0x63: {  	v0 =	vld [tilespmem:s20+$0x5670]  }
0x64: {  	v2 =	vld [tilespmem:s20+$0xA670]  }
0x65: {  	v16 =	vld [tilespmem:s20+$0x600]  }
0x66: {  	v15 =	vld [tilespmem:s20+$0x610]  }
0x67: {  	v14 =	vld [tilespmem:s20+$0x620]  }
0x68: {  	v13 =	vld [tilespmem:s20+$0x630];
	v18 =	vadd.f32 v17, v12  }
0x69: {  	s24 =	simm.s32 $0x200;
	v17 =	vadd.f32 v20, v19;
	v12 =	vld [tilespmem:s20+$0x640]  }
.LBB2_3:
0x6a: {  	p1 =	sne.s32 s24, $0x13E00;
	v16 =	vadd.f32 v18, v16;
	v5 =	vadd.f32 v10, v5;
	v10 =	vld [tilespmem:s20+$0x650]  }
0x6b: {  	v8 =	vadd.f32 v11, v8;
	v15 =	vadd.f32 v17, v15;
	v11 =	vld [tilespmem:s20+$0x660]  }
0x6c: {  	s25 =	sshra.s32 s24, $0x2;
	v7 =	vadd.f32 v9, v7;
	[tilespmem:s20+$0x600] =	vst v16;
	v5 =	vadd.f32 v5, v14;
	v9 =	vld [tilespmem:s20+$0x670]  }
0x6d: {  	v3 =	vadd.f32 v6, v3;
	v17 =	vld [tilespmem:s25+$0x5600];
	[tilespmem:s20+$0x610] =	vst v15;
	v8 =	vadd.f32 v8, v13  }
0x6e: {  	v1 =	vadd.f32 v4, v1;
	v13 =	vld [tilespmem:s25+$0xA600];
	[tilespmem:s20+$0x620] =	vst v5;
	v5 =	vadd.f32 v7, v12  }
0x6f: {  	v0 =	vadd.f32 v2, v0;
	v12 =	vld [tilespmem:s25+$0x5610];
	[tilespmem:s20+$0x630] =	vst v8;
	v3 =	vadd.f32 v3, v10  }
0x70: {  	v19 =	vld [tilespmem:s25+$0xA610];
	[tilespmem:s20+$0x640] =	vst v5;
	v1 =	vadd.f32 v1, v11  }
0x71: {  	v5 =	vld [tilespmem:s25+$0x5620];
	[tilespmem:s20+$0x650] =	vst v3;
	v0 =	vadd.f32 v0, v9  }
0x72: {  	v10 =	vld [tilespmem:s25+$0xA620];
	[tilespmem:s20+$0x660] =	vst v1  }
0x73: {  	v8 =	vld [tilespmem:s25+$0x5630];
	[tilespmem:s20+$0x670] =	vst v0;
	s20 =	smov.u32 s25  }
0x74: {  	v11 =	vld [tilespmem:s20+$0xA630]  }
0x75: {  	v7 =	vld [tilespmem:s20+$0x5640]  }
0x76: {  	v9 =	vld [tilespmem:s20+$0xA640]  }
0x77: {  	v3 =	vld [tilespmem:s20+$0x5650]  }
0x78: {  	v6 =	vld [tilespmem:s20+$0xA650]  }
0x79: {  	v1 =	vld [tilespmem:s20+$0x5660]  }
0x7a: {  	v4 =	vld [tilespmem:s20+$0xA660]  }
0x7b: {  	v0 =	vld [tilespmem:s20+$0x5670]  }
0x7c: {  	v2 =	vld [tilespmem:s20+$0xA670]  }
.Ltmp4:
0x7d: {  	v16 =	vld [tilespmem:s20+$0x600];
	(pc) =	sbr.rel @p1 .LBB2_3-.Ltmp4, $4  }
0x7e: {  	v15 =	vld [tilespmem:s20+$0x610]  }
0x7f: {  	v14 =	vld [tilespmem:s20+$0x620]  }
0x80: {  	v18 =	vadd.f32 v13, v17;
	v13 =	vld [tilespmem:s20+$0x630]  }
0x81: {  	s24 =	sadd.s32 $0x200, s24;
	v17 =	vadd.f32 v19, v12;
	v12 =	vld [tilespmem:s20+$0x640]  }
0x82: {  	v16 =	vadd.f32 v18, v16;
	v60 =	vld [tilespmem:s20+$0x650];
	v5 =	vadd.f32 v10, v5  }
0x83: {  	v61 =	vld [tilespmem:s20+$0x660];
	v8 =	vadd.f32 v11, v8;
	v15 =	vadd.f32 v17, v15  }
0x84: {  	v7 =	vadd.f32 v9, v7;
	v62 =	vld [tilespmem:s20+$0x670];
	[tilespmem:s20+$0x600] =	vst v16;
	v5 =	vadd.f32 v5, v14  }
0x85: {  	v3 =	vadd.f32 v6, v3;
	[tilespmem:s20+$0x610] =	vst v15;
	v8 =	vadd.f32 v8, v13  }
0x86: {  	v1 =	vadd.f32 v4, v1;
	[tilespmem:s20+$0x620] =	vst v5;
	v63 =	vadd.f32 v7, v12  }
0x87: {  	v0 =	vadd.f32 v2, v0;
	[tilespmem:s20+$0x630] =	vst v8;
	v3 =	vadd.f32 v3, v60  }
0x88: {  	v1 =	vadd.f32 v1, v61;
	[tilespmem:s20+$0x640] =	vst v63  }
0x89: {  	s19 =	smul.u32 $0xA00, s19;
	v0 =	vadd.f32 v0, v62;
	[tilespmem:s20+$0x650] =	vst v3  }
0x8a: {  	[tilespmem:s20+$0x660] =	vst v1  }
0x8b: {  	s19 =	sadd.s32 s6, s19;
	[tilespmem:s20+$0x670] =	vst v0  }
0x8c: {  	[hbm4b:s19+s3] =	stream.linear.scatter [tilespmem:s23], [sflag:$0x5], $0x5000, $0x38;
	[tilespmem:$0x1E600] =	vst v63  }
0x8d: {  	s19 =	sadd.s32 s13, s0  }
0x8e: {  	p1 =	sgt.u32 s19, $0x270  }
0x8f: {  	s19 =	smul.u32 @!p1 $0xA0, s19  }
0x90: {  	_ =	swait.ge [sflag:s28], $0x5000  }
0x91: {  	[sflag:s28] =	ssyncset.done $0x0;
	s19 =	sshrl.u32 @!p1 s19, $0x3  }
0x92: {  	s20 =	simm.s32 @!p1 $0x0;
	[sflag:s28] =	ssyncadd.s32 $0xFFFFB000;
	s19 =	sadd.s32 @!p1 s5, s19  }
0x93: {  	[tilespmem:s20], [sflag:$0x1] =	stream.linear.gather @!p1 [hbm4b:s19+s20], $0xA0, $0x38;
	[tilespmem:$0x1E600] =	vst v63  }
0x94: {  	s25 =	simm.s32 @!p1 $0x100;
	s24 =	sadd.s32 @!p1 $0x30D4, s19  }
0x95: {  	[tilespmem:s25], [sflag:$0x1] =	stream.linear.gather @!p1 [hbm4b:s24+s20], $0xA0, $0x38;
	[tilespmem:$0x1E600] =	vst v63  }
0x96: {  	s19 =	sadd.s32 @!p1 $0x61A8, s19;
	s24 =	simm.s32 @!p1 $0x200  }
0x97: {  	[tilespmem:s24], [sflag:$0x1] =	stream.linear.gather @!p1 [hbm4b:s19+s20], $0xA0, $0x38;
	[tilespmem:$0x1E600] =	vst v63  }
0x98: {  	s19 =	simm.s32 @!p1 $0x1  }
0x99: {  	_ =	swait.ge @!p1 [sflag:s19], $0xA0  }
0x9a: {  	[sflag:s19] =	ssyncset.done @!p1 $0x0  }
0x9b: {  	[sflag:s19] =	ssyncadd.s32 @!p1 $0xFFFFFF60  }
0x9c: {  	_ =	swait.ge @!p1 [sflag:s19], $0xA0  }
0x9d: {  	[sflag:s19] =	ssyncset.done @!p1 $0x0  }
0x9e: {  	[sflag:s19] =	ssyncadd.s32 @!p1 $0xFFFFFF60  }
0x9f: {  	_ =	swait.ge @!p1 [sflag:s19], $0xA0  }
0xa0: {  	[sflag:s19] =	ssyncset.done @!p1 $0x0  }
0xa1: {  	s8 =	simm.s32 @!p1 $0x600;
	[sflag:s19] =	ssyncadd.s32 @!p1 $0xFFFFFF60;
	s19 =	simm.s32 @!p1 $0xA0  }
0xa2: {  	[tilespmem:s8], [sflag:$0x3] =	stream.indirect.gather @!p1 [hbm4b:s2+s19], $0x80, s20, s19, $0xb8;
	[tilespmem:$0x1E600] =	vst v63  }
.Ltmp5:
0xa3: {  	_ = 	snop;
	(pc) =	sbr.rel @p0 .LBB2_8-.Ltmp5, $4  }
0xa4: {  	s8 =	simm.s32 @!p1 $0x5600  }
0xa5: {  	[tilespmem:s8], [sflag:$0x3] =	stream.indirect.gather @!p1 [hbm4b:s2+s19], $0x80, s25, s19, $0xb8;
	[tilespmem:$0x1E600] =	vst v63  }
0xa6: {  	s8 =	simm.s32 @!p1 $0xA600  }
0xa7: {  	[tilespmem:s8], [sflag:$0x3] =	stream.indirect.gather @!p1 [hbm4b:s2+s19], $0x80, s24, s19, $0xb8;
	[tilespmem:$0x1E600] =	vst v63  }
0xa8: {  	_ =	swait.ge [sflag:s29], $0x5000  }
0xa9: {  	[sflag:s29] =	ssyncset.done $0x0  }
0xaa: {  	[sflag:s29] =	ssyncadd.s32 $0xFFFFB000  }
0xab: {  	_ =	swait.ge [sflag:s29], $0x5000  }
0xac: {  	[sflag:s29] =	ssyncset.done $0x0  }
0xad: {  	[sflag:s29] =	ssyncadd.s32 $0xFFFFB000  }
0xae: {  	_ =	swait.ge [sflag:s29], $0x5000  }
0xaf: {  	[sflag:s29] =	ssyncset.done $0x0  }
0xb0: {  	s19 =	simm.s32 $0x0;
	[sflag:s29] =	ssyncadd.s32 $0xFFFFB000  }
0xb1: {  	v12 =	vld [tilespmem:s19+$0x14600]  }
0xb2: {  	v17 =	vld [tilespmem:s19+$0x19600]  }
0xb3: {  	v19 =	vld [tilespmem:s19+$0x14610]  }
0xb4: {  	v20 =	vld [tilespmem:s19+$0x19610]  }
0xb5: {  	v5 =	vld [tilespmem:s19+$0x14620]  }
0xb6: {  	v10 =	vld [tilespmem:s19+$0x19620]  }
0xb7: {  	v8 =	vld [tilespmem:s19+$0x14630]  }
0xb8: {  	v11 =	vld [tilespmem:s19+$0x19630]  }
0xb9: {  	v7 =	vld [tilespmem:s19+$0x14640]  }
0xba: {  	v9 =	vld [tilespmem:s19+$0x19640]  }
0xbb: {  	v3 =	vld [tilespmem:s19+$0x14650]  }
0xbc: {  	v6 =	vld [tilespmem:s19+$0x19650]  }
0xbd: {  	v1 =	vld [tilespmem:s19+$0x14660]  }
0xbe: {  	v4 =	vld [tilespmem:s19+$0x19660]  }
0xbf: {  	v0 =	vld [tilespmem:s19+$0x14670]  }
0xc0: {  	v2 =	vld [tilespmem:s19+$0x19670]  }
0xc1: {  	v16 =	vld [tilespmem:s19+$0xF600]  }
0xc2: {  	v15 =	vld [tilespmem:s19+$0xF610]  }
0xc3: {  	v14 =	vld [tilespmem:s19+$0xF620]  }
0xc4: {  	v13 =	vld [tilespmem:s19+$0xF630];
	v18 =	vadd.f32 v17, v12  }
0xc5: {  	s20 =	simm.s32 $0x200;
	v17 =	vadd.f32 v20, v19;
	v12 =	vld [tilespmem:s19+$0xF640]  }
.LBB2_6:
0xc6: {  	p0 =	sne.s32 s20, $0x13E00;
	v16 =	vadd.f32 v18, v16;
	v5 =	vadd.f32 v10, v5;
	v10 =	vld [tilespmem:s19+$0xF650]  }
0xc7: {  	v8 =	vadd.f32 v11, v8;
	v15 =	vadd.f32 v17, v15;
	v11 =	vld [tilespmem:s19+$0xF660]  }
0xc8: {  	s8 =	sshra.s32 s20, $0x2;
	v7 =	vadd.f32 v9, v7;
	[tilespmem:s19+$0xF600] =	vst v16;
	v5 =	vadd.f32 v5, v14;
	v9 =	vld [tilespmem:s19+$0xF670]  }
0xc9: {  	v3 =	vadd.f32 v6, v3;
	v17 =	vld [tilespmem:s8+$0x14600];
	[tilespmem:s19+$0xF610] =	vst v15;
	v8 =	vadd.f32 v8, v13  }
0xca: {  	v1 =	vadd.f32 v4, v1;
	v13 =	vld [tilespmem:s8+$0x19600];
	[tilespmem:s19+$0xF620] =	vst v5;
	v5 =	vadd.f32 v7, v12  }
0xcb: {  	v0 =	vadd.f32 v2, v0;
	v12 =	vld [tilespmem:s8+$0x14610];
	[tilespmem:s19+$0xF630] =	vst v8;
	v3 =	vadd.f32 v3, v10  }
0xcc: {  	v19 =	vld [tilespmem:s8+$0x19610];
	[tilespmem:s19+$0xF640] =	vst v5;
	v1 =	vadd.f32 v1, v11  }
0xcd: {  	v5 =	vld [tilespmem:s8+$0x14620];
	[tilespmem:s19+$0xF650] =	vst v3;
	v0 =	vadd.f32 v0, v9  }
0xce: {  	v10 =	vld [tilespmem:s8+$0x19620];
	[tilespmem:s19+$0xF660] =	vst v1  }
0xcf: {  	v8 =	vld [tilespmem:s8+$0x14630];
	[tilespmem:s19+$0xF670] =	vst v0;
	s19 =	smov.u32 s8  }
0xd0: {  	v11 =	vld [tilespmem:s19+$0x19630]  }
0xd1: {  	v7 =	vld [tilespmem:s19+$0x14640]  }
0xd2: {  	v9 =	vld [tilespmem:s19+$0x19640]  }
0xd3: {  	v3 =	vld [tilespmem:s19+$0x14650]  }
0xd4: {  	v6 =	vld [tilespmem:s19+$0x19650]  }
0xd5: {  	v1 =	vld [tilespmem:s19+$0x14660]  }
0xd6: {  	v4 =	vld [tilespmem:s19+$0x19660]  }
0xd7: {  	v0 =	vld [tilespmem:s19+$0x14670]  }
0xd8: {  	v2 =	vld [tilespmem:s19+$0x19670]  }
.Ltmp6:
0xd9: {  	v16 =	vld [tilespmem:s19+$0xF600];
	(pc) =	sbr.rel @p0 .LBB2_6-.Ltmp6, $4  }
0xda: {  	v15 =	vld [tilespmem:s19+$0xF610]  }
0xdb: {  	v14 =	vld [tilespmem:s19+$0xF620]  }
0xdc: {  	v18 =	vadd.f32 v13, v17;
	v13 =	vld [tilespmem:s19+$0xF630]  }
0xdd: {  	s20 =	sadd.s32 $0x200, s20;
	v17 =	vadd.f32 v19, v12;
	v12 =	vld [tilespmem:s19+$0xF640]  }
0xde: {  	v16 =	vadd.f32 v18, v16;
	v60 =	vld [tilespmem:s19+$0xF650];
	v5 =	vadd.f32 v10, v5  }
0xdf: {  	v61 =	vld [tilespmem:s19+$0xF660];
	v8 =	vadd.f32 v11, v8;
	v15 =	vadd.f32 v17, v15  }
0xe0: {  	v7 =	vadd.f32 v9, v7;
	v62 =	vld [tilespmem:s19+$0xF670];
	[tilespmem:s19+$0xF600] =	vst v16;
	v5 =	vadd.f32 v5, v14  }
0xe1: {  	v3 =	vadd.f32 v6, v3;
	[tilespmem:s19+$0xF610] =	vst v15;
	v8 =	vadd.f32 v8, v13  }
0xe2: {  	v1 =	vadd.f32 v4, v1;
	[tilespmem:s19+$0xF620] =	vst v5;
	v63 =	vadd.f32 v7, v12  }
0xe3: {  	v0 =	vadd.f32 v2, v0;
	[tilespmem:s19+$0xF630] =	vst v8;
	v3 =	vadd.f32 v3, v60  }
0xe4: {  	v1 =	vadd.f32 v1, v61;
	[tilespmem:s19+$0xF640] =	vst v63  }
0xe5: {  	s8 =	smul.u32 $0xA00, s18;
	v0 =	vadd.f32 v0, v62;
	[tilespmem:s19+$0xF650] =	vst v3  }
0xe6: {  	[tilespmem:s19+$0xF660] =	vst v1  }
.Ltmp7:
0xe7: {  	s8 =	sadd.s32 s6, s8;
	[tilespmem:s19+$0xF670] =	vst v0;
	(pc) =	sbr.rel .LBB2_8-.Ltmp7, $4  }
0xe8: {  	[hbm4b:s8+s3] =	stream.linear.scatter [tilespmem:s30], [sflag:$0x5], $0x5000, $0x38;
	[tilespmem:$0x1E600] =	vst v63  }
0xe9: {  	_ =	swait.ge [sflag:s28], $0x5000  }
0xea: {  	[sflag:s28] =	ssyncset.done $0x0  }
0xeb: {  	[sflag:s28] =	ssyncadd.s32 $0xFFFFB000  }
.LBB2_10:
0xec: {  	_ =	sfence.sel $0x180000  }
0xed: {  	[bflag:$0x0] =	sbarrier.arrive $0xFFFF  }
0xee: {  	_ =	strace $0x90000047  }
0xef: {  	s0 =	stileid.u32;
	[bflag:$0x2] =	sbarrier.arrive $0xFFFF  }
0xf0: {  	p0 =	sne.s32 s0, $0x0;
	s0 =	rddreg [dreg:$0x2]  }
0xf1: {  	s0 =	sadd.s32 @!p0 $0x100000, s0  }
0xf2: {  	[sflag:s0] =	ssyncadd.tile.s32 @!p0 $0x1;
	_ =	shalt  }
.Lfunc_end2:
_tile_overlayer_lowered:
.L_overlay_start_2:
0xf3: {  	(tag) =	ssettag $0x2  }
0xf4: {  	s0 =	rddreg [dreg:$0x0];
	s2 =	stileid.u32  }
0xf5: {  	s1 =	rddreg [dreg:$0x1];
	p0 =	sne.s32 s2, $0x0  }
0xf6: {  	s3 =	rddreg [dreg:$0x2];
	[bflag:$0x3] =	sbarrier.arrive $0xFFFF;
	s2 =	simm.s32 @!p0 $0x1C05  }
0xf7: {  	[timem:s3], [sflag:s2] =	dma.local @!p0 [hbm:s0], s1  }
0xf8: {  	s0 =	simm.s32 @!p0 $0x5  }
0xf9: {  	_ =	swait.ge @!p0 [sflag:s0], s1  }
0xfa: {  	s1 =	ssub.s32 @!p0 $0x0, s1;
	[sflag:s0] =	ssyncset.done @!p0 $0x0  }
0xfb: {  	[sflag:s0] =	ssyncadd.s32 @!p0 s1  }
0xfc: {  	[bflag:$0x3] =	sbarrier.arrive $0xFFFF  }
0xfd: {  	_ =	shalt  }

</sc_bundles>
